<compile_context>
chip_gen: v7x
topology: tpu7x:2x2x1
jax: 0.10.2.dev20260603
libtpu: 0.0.44.dev20260713+nightly
codegen_flags: <defaults>
</compile_context>

<pallas_src>
import functools

import jax
import jax.numpy as jnp
from jax import lax
from jax.experimental import pallas as pl
from jax.experimental.pallas import tpu as pltpu
from jax.experimental.pallas import tpu_sc as plsc

NUM_CORES = 2
NUM_SUBCORES = 16
NUM_LANES = 16
NUM_WORKERS = NUM_CORES * NUM_SUBCORES
IDX_CHUNK = 128


def _mf_body(E, B_PER_W, u_hbm, v_hbm, ue_hbm, ie_hbm, ub_hbm, ib_hbm,
             out_hbm, idx_u, idx_v, urows, vrows, bias_u, bias_v, out_v, sem):
    wid = lax.axis_index("s") * NUM_CORES + lax.axis_index("c")
    base = wid * B_PER_W
    n_chunks = B_PER_W // IDX_CHUNK

    copies = []
    for j in range(n_chunks):
        src = pl.ds(base + j * IDX_CHUNK, IDX_CHUNK)
        copies.append(pltpu.make_async_copy(u_hbm.at[src], idx_u.at[j], sem))
        copies.append(pltpu.make_async_copy(v_hbm.at[src], idx_v.at[j], sem))
    for c in copies:
        c.start()
    for c in copies:
        c.wait()

    gathers = []
    for j in range(n_chunks):
        dst = pl.ds(j * IDX_CHUNK, IDX_CHUNK)
        gathers.append(pltpu.make_async_copy(ue_hbm.at[idx_u.at[j]], urows.at[dst], sem))
        gathers.append(pltpu.make_async_copy(ie_hbm.at[idx_v.at[j]], vrows.at[dst], sem))
        gathers.append(pltpu.make_async_copy(ub_hbm.at[idx_u.at[j]], bias_u.at[dst], sem))
        gathers.append(pltpu.make_async_copy(ib_hbm.at[idx_v.at[j]], bias_v.at[dst], sem))
    for g in gathers:
        g.start()
    for g in gathers:
        g.wait()

    lane = lax.iota(jnp.int32, NUM_LANES)

    def chunk_body(c, carry):
        rows = lane + c * NUM_LANES
        sl = pl.ds(c * NUM_LANES, NUM_LANES)
        acc = bias_u[sl] + bias_v[sl]
        for j in range(E):
            col = jnp.full((NUM_LANES,), j, jnp.int32)
            uj = plsc.load_gather(urows, [rows, col])
            vj = plsc.load_gather(vrows, [rows, col])
            acc = acc + uj * vj
        out_v[pl.ds(c * NUM_LANES, NUM_LANES)] = acc
        return carry

    lax.fori_loop(0, B_PER_W // NUM_LANES, chunk_body, 0)

    out_copy = pltpu.make_async_copy(out_v, out_hbm.at[pl.ds(base, B_PER_W)], sem)
    out_copy.start()
    out_copy.wait()


@jax.jit
def _mf_sc(u, v, user_emb, item_emb, user_bias, item_bias):
    B = u.shape[0]
    E = user_emb.shape[1]
    b_per_w = B // NUM_WORKERS
    n_chunks = b_per_w // IDX_CHUNK
    mesh = plsc.VectorSubcoreMesh(core_axis_name="c", subcore_axis_name="s")
    kern = pl.kernel(
        functools.partial(_mf_body, E, b_per_w),
        mesh=mesh,
        compiler_params=pltpu.CompilerParams(
            needs_layout_passes=False, use_tc_tiling_on_sc=False),
        out_type=jax.ShapeDtypeStruct((B,), jnp.float32),
        scratch_types=[
            pltpu.VMEM((n_chunks, IDX_CHUNK), jnp.int32),
            pltpu.VMEM((n_chunks, IDX_CHUNK), jnp.int32),
            pltpu.VMEM((b_per_w, E), jnp.float32),
            pltpu.VMEM((b_per_w, E), jnp.float32),
            pltpu.VMEM((b_per_w,), jnp.float32),
            pltpu.VMEM((b_per_w,), jnp.float32),
            pltpu.VMEM((b_per_w,), jnp.float32),
            pltpu.SemaphoreType.DMA,
        ],
    )
    return kern(u, v, user_emb, item_emb, user_bias, item_bias)


def kernel(u, v, user_emb, item_emb, user_bias, item_bias):
    u = u.astype(jnp.int32)
    v = v.astype(jnp.int32)
    ub = user_bias.reshape(-1)
    ib = item_bias.reshape(-1)
    return _mf_sc(u, v, user_emb, item_emb, ub, ib)

# --- scband reference (transcript-rebuilt; emitter-appended) ---
"""Pipeline reference for scband-mf-3908420239779 (READ-ONLY COPY).

The authoritative reference and input builder live on the scoring server;
editing this copy changes nothing except your own understanding.
"""

import jax, jax.numpy as jnp
import numpy as np

NUM_USERS = 1000000
NUM_ITEMS = 1000000
EMB_SIZE = 32
BATCH = 16384

def setup_inputs(seed: int = 0) -> dict:
    key = jax.random.key(seed)
    k1, k2, k3, k4, k5, k6 = jax.random.split(key, 6)
    u = jax.random.randint(k1, (BATCH,), 0, NUM_USERS, dtype=jnp.int64 if jax.config.jax_enable_x64 else jnp.int32)
    v = jax.random.randint(k2, (BATCH,), 0, NUM_ITEMS, dtype=jnp.int64 if jax.config.jax_enable_x64 else jnp.int32)
    user_emb = jax.random.uniform(k3, (NUM_USERS, EMB_SIZE), dtype=jnp.float32, minval=0.0, maxval=0.05)
    item_emb = jax.random.uniform(k4, (NUM_ITEMS, EMB_SIZE), dtype=jnp.float32, minval=0.0, maxval=0.05)
    user_bias = jax.random.uniform(k5, (NUM_USERS, 1), dtype=jnp.float32, minval=-0.01, maxval=0.01)
    item_bias = jax.random.uniform(k6, (NUM_ITEMS, 1), dtype=jnp.float32, minval=-0.01, maxval=0.01)
    return {"u": u, "v": v, "user_emb": user_emb, "item_emb": item_emb, "user_bias": user_bias, "item_bias": item_bias}

def reference(u, v, user_emb, item_emb, user_bias, item_bias):
    U = jnp.take(user_emb, u, axis=0)            # [B, E]
    V = jnp.take(item_emb, v, axis=0)            # [B, E]
    b_u = jnp.take(user_bias, u, axis=0).squeeze(-1)  # [B]
    b_v = jnp.take(item_bias, v, axis=0).squeeze(-1)  # [B]
    return (U * V).sum(axis=1) + b_u + b_v

if __name__ == "__main__":
    import jax
    _d = setup_inputs()
    print(jax.jit(kernel)(*tuple(_d.values())))

</pallas_src>

<mosaic_0001>
#map = affine_map<(d0, d1) -> (0)>
#map1 = affine_map<(d0, d1) -> (0, 0)>
module attributes {stable_mosaic.version = 14 : i64} {
  func.func @_mf_body(%arg0: i32, %arg1: i32, %arg2: memref<16384xi32, #tpu.memory_space<hbm>>, %arg3: memref<16384xi32, #tpu.memory_space<hbm>>, %arg4: memref<1000000x32xf32, #tpu.memory_space<hbm>>, %arg5: memref<1000000x32xf32, #tpu.memory_space<hbm>>, %arg6: memref<1000000xf32, #tpu.memory_space<hbm>>, %arg7: memref<1000000xf32, #tpu.memory_space<hbm>>, %arg8: memref<16384xf32, #tpu.memory_space<hbm>>, %arg9: memref<4x128xi32, #tpu.memory_space<vmem>>, %arg10: memref<4x128xi32, #tpu.memory_space<vmem>>, %arg11: memref<512x32xf32, #tpu.memory_space<vmem>>, %arg12: memref<512x32xf32, #tpu.memory_space<vmem>>, %arg13: memref<512xf32, #tpu.memory_space<vmem>>, %arg14: memref<512xf32, #tpu.memory_space<vmem>>, %arg15: memref<512xf32, #tpu.memory_space<vmem>>, %arg16: memref<!tpu.dma_semaphore, #tpu.memory_space<semaphore_mem>>) attributes {dimension_semantics = [#tpu.dimension_semantics<core_parallel>, #tpu.dimension_semantics<subcore_parallel>], iteration_bounds = array<i64: 2, 16>, scalar_prefetch = 0 : i64, scratch_operands = 8 : i64, tpu.core_type = #tpu.core_type<sc_vector_subcore>, window_params = [{transform_indices = #map}, {transform_indices = #map}, {transform_indices = #map1}, {transform_indices = #map1}, {transform_indices = #map}, {transform_indices = #map}, {transform_indices = #map}]} {
    %mul3A = arith.constant 2 : i32
    %mul3A_0 = arith.muli %arg1, %mul3A : i32
    %add3A = arith.addi %mul3A_0, %arg0 : i32
    %mul3A_1 = arith.constant 512 : i32
    %mul3A_2 = arith.muli %add3A, %mul3A_1 : i32
    %add3A_3 = arith.constant 0 : i32
    %add3A_4 = arith.addi %mul3A_2, %add3A_3 : i32
    %add3A_5 = arith.constant 128 : i32
    %add3A_6 = arith.addi %mul3A_2, %add3A_5 : i32
    %add3A_7 = arith.constant 256 : i32
    %add3A_8 = arith.addi %mul3A_2, %add3A_7 : i32
    %add3A_9 = arith.constant 384 : i32
    %add3A_10 = arith.addi %mul3A_2, %add3A_9 : i32
    %dma_start3A = arith.constant 0 : i32
    %dma_start3A_11 = arith.constant 0 : i32
    %dma_start3A_12 = tpu.memref_slice %arg9[%dma_start3A, %dma_start3A_11] : memref<4x128xi32, #tpu.memory_space<vmem>> -> memref<1x128xi32, #tpu.memory_space<vmem>>
    %dma_start3A_13 = tpu.memref_squeeze %dma_start3A_12 : memref<1x128xi32, #tpu.memory_space<vmem>> -> memref<128xi32, #tpu.memory_space<vmem>>
    %dma_start3A_14 = tpu.memref_slice %arg2[%add3A_4] : memref<16384xi32, #tpu.memory_space<hbm>> -> memref<128xi32, #tpu.memory_space<hbm>>
    %dma_start3A_15 = arith.constant 0 : i32
    %dma_start3A_16 = tpu.memref_slice %arg9[%dma_start3A, %dma_start3A_15] : memref<4x128xi32, #tpu.memory_space<vmem>> -> memref<1x128xi32, #tpu.memory_space<vmem>>
    %dma_start3A_17 = tpu.memref_squeeze %dma_start3A_16 : memref<1x128xi32, #tpu.memory_space<vmem>> -> memref<128xi32, #tpu.memory_space<vmem>>
    %dma_start3A_18 = tpu.memref_slice %arg2[%add3A_4] : memref<16384xi32, #tpu.memory_space<hbm>> -> memref<128xi32, #tpu.memory_space<hbm>>
    tpu.enqueue_dma source(%dma_start3A_18 : memref<128xi32, #tpu.memory_space<hbm>>) target(%dma_start3A_17 : memref<128xi32, #tpu.memory_space<vmem>>) target_semaphore(%arg16 : memref<!tpu.dma_semaphore, #tpu.memory_space<semaphore_mem>>)
    %dma_start3A_19 = arith.constant 0 : i32
    %dma_start3A_20 = arith.constant 0 : i32
    %dma_start3A_21 = tpu.memref_slice %arg10[%dma_start3A_19, %dma_start3A_20] : memref<4x128xi32, #tpu.memory_space<vmem>> -> memref<1x128xi32, #tpu.memory_space<vmem>>
    %dma_start3A_22 = tpu.memref_squeeze %dma_start3A_21 : memref<1x128xi32, #tpu.memory_space<vmem>> -> memref<128xi32, #tpu.memory_space<vmem>>
    %dma_start3A_23 = tpu.memref_slice %arg3[%add3A_4] : memref<16384xi32, #tpu.memory_space<hbm>> -> memref<128xi32, #tpu.memory_space<hbm>>
    %dma_start3A_24 = arith.constant 0 : i32
    %dma_start3A_25 = tpu.memref_slice %arg10[%dma_start3A_19, %dma_start3A_24] : memref<4x128xi32, #tpu.memory_space<vmem>> -> memref<1x128xi32, #tpu.memory_space<vmem>>
    %dma_start3A_26 = tpu.memref_squeeze %dma_start3A_25 : memref<1x128xi32, #tpu.memory_space<vmem>> -> memref<128xi32, #tpu.memory_space<vmem>>
    %dma_start3A_27 = tpu.memref_slice %arg3[%add3A_4] : memref<16384xi32, #tpu.memory_space<hbm>> -> memref<128xi32, #tpu.memory_space<hbm>>
    tpu.enqueue_dma source(%dma_start3A_27 : memref<128xi32, #tpu.memory_space<hbm>>) target(%dma_start3A_26 : memref<128xi32, #tpu.memory_space<vmem>>) target_semaphore(%arg16 : memref<!tpu.dma_semaphore, #tpu.memory_space<semaphore_mem>>)
    %dma_start3A_28 = arith.constant 1 : i32
    %dma_start3A_29 = arith.constant 0 : i32
    %dma_start3A_30 = tpu.memref_slice %arg9[%dma_start3A_28, %dma_start3A_29] : memref<4x128xi32, #tpu.memory_space<vmem>> -> memref<1x128xi32, #tpu.memory_space<vmem>>
    %dma_start3A_31 = tpu.memref_squeeze %dma_start3A_30 : memref<1x128xi32, #tpu.memory_space<vmem>> -> memref<128xi32, #tpu.memory_space<vmem>>
    %dma_start3A_32 = tpu.memref_slice %arg2[%add3A_6] : memref<16384xi32, #tpu.memory_space<hbm>> -> memref<128xi32, #tpu.memory_space<hbm>>
    %dma_start3A_33 = arith.constant 0 : i32
    %dma_start3A_34 = tpu.memref_slice %arg9[%dma_start3A_28, %dma_start3A_33] : memref<4x128xi32, #tpu.memory_space<vmem>> -> memref<1x128xi32, #tpu.memory_space<vmem>>
    %dma_start3A_35 = tpu.memref_squeeze %dma_start3A_34 : memref<1x128xi32, #tpu.memory_space<vmem>> -> memref<128xi32, #tpu.memory_space<vmem>>
    %dma_start3A_36 = tpu.memref_slice %arg2[%add3A_6] : memref<16384xi32, #tpu.memory_space<hbm>> -> memref<128xi32, #tpu.memory_space<hbm>>
    tpu.enqueue_dma source(%dma_start3A_36 : memref<128xi32, #tpu.memory_space<hbm>>) target(%dma_start3A_35 : memref<128xi32, #tpu.memory_space<vmem>>) target_semaphore(%arg16 : memref<!tpu.dma_semaphore, #tpu.memory_space<semaphore_mem>>)
    %dma_start3A_37 = arith.constant 1 : i32
    %dma_start3A_38 = arith.constant 0 : i32
    %dma_start3A_39 = tpu.memref_slice %arg10[%dma_start3A_37, %dma_start3A_38] : memref<4x128xi32, #tpu.memory_space<vmem>> -> memref<1x128xi32, #tpu.memory_space<vmem>>
    %dma_start3A_40 = tpu.memref_squeeze %dma_start3A_39 : memref<1x128xi32, #tpu.memory_space<vmem>> -> memref<128xi32, #tpu.memory_space<vmem>>
    %dma_start3A_41 = tpu.memref_slice %arg3[%add3A_6] : memref<16384xi32, #tpu.memory_space<hbm>> -> memref<128xi32, #tpu.memory_space<hbm>>
    %dma_start3A_42 = arith.constant 0 : i32
    %dma_start3A_43 = tpu.memref_slice %arg10[%dma_start3A_37, %dma_start3A_42] : memref<4x128xi32, #tpu.memory_space<vmem>> -> memref<1x128xi32, #tpu.memory_space<vmem>>
    %dma_start3A_44 = tpu.memref_squeeze %dma_start3A_43 : memref<1x128xi32, #tpu.memory_space<vmem>> -> memref<128xi32, #tpu.memory_space<vmem>>
    %dma_start3A_45 = tpu.memref_slice %arg3[%add3A_6] : memref<16384xi32, #tpu.memory_space<hbm>> -> memref<128xi32, #tpu.memory_space<hbm>>
    tpu.enqueue_dma source(%dma_start3A_45 : memref<128xi32, #tpu.memory_space<hbm>>) target(%dma_start3A_44 : memref<128xi32, #tpu.memory_space<vmem>>) target_semaphore(%arg16 : memref<!tpu.dma_semaphore, #tpu.memory_space<semaphore_mem>>)
    %dma_start3A_46 = arith.constant 2 : i32
    %dma_start3A_47 = arith.constant 0 : i32
    %dma_start3A_48 = tpu.memref_slice %arg9[%dma_start3A_46, %dma_start3A_47] : memref<4x128xi32, #tpu.memory_space<vmem>> -> memref<1x128xi32, #tpu.memory_space<vmem>>
    %dma_start3A_49 = tpu.memref_squeeze %dma_start3A_48 : memref<1x128xi32, #tpu.memory_space<vmem>> -> memref<128xi32, #tpu.memory_space<vmem>>
    %dma_start3A_50 = tpu.memref_slice %arg2[%add3A_8] : memref<16384xi32, #tpu.memory_space<hbm>> -> memref<128xi32, #tpu.memory_space<hbm>>
    %dma_start3A_51 = arith.constant 0 : i32
    %dma_start3A_52 = tpu.memref_slice %arg9[%dma_start3A_46, %dma_start3A_51] : memref<4x128xi32, #tpu.memory_space<vmem>> -> memref<1x128xi32, #tpu.memory_space<vmem>>
    %dma_start3A_53 = tpu.memref_squeeze %dma_start3A_52 : memref<1x128xi32, #tpu.memory_space<vmem>> -> memref<128xi32, #tpu.memory_space<vmem>>
    %dma_start3A_54 = tpu.memref_slice %arg2[%add3A_8] : memref<16384xi32, #tpu.memory_space<hbm>> -> memref<128xi32, #tpu.memory_space<hbm>>
    tpu.enqueue_dma source(%dma_start3A_54 : memref<128xi32, #tpu.memory_space<hbm>>) target(%dma_start3A_53 : memref<128xi32, #tpu.memory_space<vmem>>) target_semaphore(%arg16 : memref<!tpu.dma_semaphore, #tpu.memory_space<semaphore_mem>>)
    %dma_start3A_55 = arith.constant 2 : i32
    %dma_start3A_56 = arith.constant 0 : i32
    %dma_start3A_57 = tpu.memref_slice %arg10[%dma_start3A_55, %dma_start3A_56] : memref<4x128xi32, #tpu.memory_space<vmem>> -> memref<1x128xi32, #tpu.memory_space<vmem>>
    %dma_start3A_58 = tpu.memref_squeeze %dma_start3A_57 : memref<1x128xi32, #tpu.memory_space<vmem>> -> memref<128xi32, #tpu.memory_space<vmem>>
    %dma_start3A_59 = tpu.memref_slice %arg3[%add3A_8] : memref<16384xi32, #tpu.memory_space<hbm>> -> memref<128xi32, #tpu.memory_space<hbm>>
    %dma_start3A_60 = arith.constant 0 : i32
    %dma_start3A_61 = tpu.memref_slice %arg10[%dma_start3A_55, %dma_start3A_60] : memref<4x128xi32, #tpu.memory_space<vmem>> -> memref<1x128xi32, #tpu.memory_space<vmem>>
    %dma_start3A_62 = tpu.memref_squeeze %dma_start3A_61 : memref<1x128xi32, #tpu.memory_space<vmem>> -> memref<128xi32, #tpu.memory_space<vmem>>
    %dma_start3A_63 = tpu.memref_slice %arg3[%add3A_8] : memref<16384xi32, #tpu.memory_space<hbm>> -> memref<128xi32, #tpu.memory_space<hbm>>
    tpu.enqueue_dma source(%dma_start3A_63 : memref<128xi32, #tpu.memory_space<hbm>>) target(%dma_start3A_62 : memref<128xi32, #tpu.memory_space<vmem>>) target_semaphore(%arg16 : memref<!tpu.dma_semaphore, #tpu.memory_space<semaphore_mem>>)
    %dma_start3A_64 = arith.constant 3 : i32
    %dma_start3A_65 = arith.constant 0 : i32
    %dma_start3A_66 = tpu.memref_slice %arg9[%dma_start3A_64, %dma_start3A_65] : memref<4x128xi32, #tpu.memory_space<vmem>> -> memref<1x128xi32, #tpu.memory_space<vmem>>
    %dma_start3A_67 = tpu.memref_squeeze %dma_start3A_66 : memref<1x128xi32, #tpu.memory_space<vmem>> -> memref<128xi32, #tpu.memory_space<vmem>>
    %dma_start3A_68 = tpu.memref_slice %arg2[%add3A_10] : memref<16384xi32, #tpu.memory_space<hbm>> -> memref<128xi32, #tpu.memory_space<hbm>>
    %dma_start3A_69 = arith.constant 0 : i32
    %dma_start3A_70 = tpu.memref_slice %arg9[%dma_start3A_64, %dma_start3A_69] : memref<4x128xi32, #tpu.memory_space<vmem>> -> memref<1x128xi32, #tpu.memory_space<vmem>>
    %dma_start3A_71 = tpu.memref_squeeze %dma_start3A_70 : memref<1x128xi32, #tpu.memory_space<vmem>> -> memref<128xi32, #tpu.memory_space<vmem>>
    %dma_start3A_72 = tpu.memref_slice %arg2[%add3A_10] : memref<16384xi32, #tpu.memory_space<hbm>> -> memref<128xi32, #tpu.memory_space<hbm>>
    tpu.enqueue_dma source(%dma_start3A_72 : memref<128xi32, #tpu.memory_space<hbm>>) target(%dma_start3A_71 : memref<128xi32, #tpu.memory_space<vmem>>) target_semaphore(%arg16 : memref<!tpu.dma_semaphore, #tpu.memory_space<semaphore_mem>>)
    %dma_start3A_73 = arith.constant 3 : i32
    %dma_start3A_74 = arith.constant 0 : i32
    %dma_start3A_75 = tpu.memref_slice %arg10[%dma_start3A_73, %dma_start3A_74] : memref<4x128xi32, #tpu.memory_space<vmem>> -> memref<1x128xi32, #tpu.memory_space<vmem>>
    %dma_start3A_76 = tpu.memref_squeeze %dma_start3A_75 : memref<1x128xi32, #tpu.memory_space<vmem>> -> memref<128xi32, #tpu.memory_space<vmem>>
    %dma_start3A_77 = tpu.memref_slice %arg3[%add3A_10] : memref<16384xi32, #tpu.memory_space<hbm>> -> memref<128xi32, #tpu.memory_space<hbm>>
    %dma_start3A_78 = arith.constant 0 : i32
    %dma_start3A_79 = tpu.memref_slice %arg10[%dma_start3A_73, %dma_start3A_78] : memref<4x128xi32, #tpu.memory_space<vmem>> -> memref<1x128xi32, #tpu.memory_space<vmem>>
    %dma_start3A_80 = tpu.memref_squeeze %dma_start3A_79 : memref<1x128xi32, #tpu.memory_space<vmem>> -> memref<128xi32, #tpu.memory_space<vmem>>
    %dma_start3A_81 = tpu.memref_slice %arg3[%add3A_10] : memref<16384xi32, #tpu.memory_space<hbm>> -> memref<128xi32, #tpu.memory_space<hbm>>
    tpu.enqueue_dma source(%dma_start3A_81 : memref<128xi32, #tpu.memory_space<hbm>>) target(%dma_start3A_80 : memref<128xi32, #tpu.memory_space<vmem>>) target_semaphore(%arg16 : memref<!tpu.dma_semaphore, #tpu.memory_space<semaphore_mem>>)
    %dma_wait3A = arith.constant 0 : i32
    %dma_wait3A_82 = arith.constant 0 : i32
    %dma_wait3A_83 = tpu.memref_slice %arg9[%dma_wait3A, %dma_wait3A_82] : memref<4x128xi32, #tpu.memory_space<vmem>> -> memref<1x128xi32, #tpu.memory_space<vmem>>
    %dma_wait3A_84 = tpu.memref_squeeze %dma_wait3A_83 : memref<1x128xi32, #tpu.memory_space<vmem>> -> memref<128xi32, #tpu.memory_space<vmem>>
    %dma_wait3A_85 = tpu.memref_slice %arg2[%add3A_4] : memref<16384xi32, #tpu.memory_space<hbm>> -> memref<128xi32, #tpu.memory_space<hbm>>
    %dma_wait3A_86 = arith.constant 0 : i32
    %dma_wait3A_87 = tpu.memref_slice %arg9[%dma_wait3A, %dma_wait3A_86] : memref<4x128xi32, #tpu.memory_space<vmem>> -> memref<1x128xi32, #tpu.memory_space<vmem>>
    %dma_wait3A_88 = tpu.memref_squeeze %dma_wait3A_87 : memref<1x128xi32, #tpu.memory_space<vmem>> -> memref<128xi32, #tpu.memory_space<vmem>>
    %dma_wait3A_89 = tpu.memref_slice %arg2[%add3A_4] : memref<16384xi32, #tpu.memory_space<hbm>> -> memref<128xi32, #tpu.memory_space<hbm>>
    tpu.wait_dma2 semaphore(%arg16 : memref<!tpu.dma_semaphore, #tpu.memory_space<semaphore_mem>>) src(%dma_wait3A_89 : memref<128xi32, #tpu.memory_space<hbm>>) dst(%dma_wait3A_88 : memref<128xi32, #tpu.memory_space<vmem>>)
    %dma_wait3A_90 = arith.constant 0 : i32
    %dma_wait3A_91 = arith.constant 0 : i32
    %dma_wait3A_92 = tpu.memref_slice %arg10[%dma_wait3A_90, %dma_wait3A_91] : memref<4x128xi32, #tpu.memory_space<vmem>> -> memref<1x128xi32, #tpu.memory_space<vmem>>
    %dma_wait3A_93 = tpu.memref_squeeze %dma_wait3A_92 : memref<1x128xi32, #tpu.memory_space<vmem>> -> memref<128xi32, #tpu.memory_space<vmem>>
    %dma_wait3A_94 = tpu.memref_slice %arg3[%add3A_4] : memref<16384xi32, #tpu.memory_space<hbm>> -> memref<128xi32, #tpu.memory_space<hbm>>
    %dma_wait3A_95 = arith.constant 0 : i32
    %dma_wait3A_96 = tpu.memref_slice %arg10[%dma_wait3A_90, %dma_wait3A_95] : memref<4x128xi32, #tpu.memory_space<vmem>> -> memref<1x128xi32, #tpu.memory_space<vmem>>
    %dma_wait3A_97 = tpu.memref_squeeze %dma_wait3A_96 : memref<1x128xi32, #tpu.memory_space<vmem>> -> memref<128xi32, #tpu.memory_space<vmem>>
    %dma_wait3A_98 = tpu.memref_slice %arg3[%add3A_4] : memref<16384xi32, #tpu.memory_space<hbm>> -> memref<128xi32, #tpu.memory_space<hbm>>
    tpu.wait_dma2 semaphore(%arg16 : memref<!tpu.dma_semaphore, #tpu.memory_space<semaphore_mem>>) src(%dma_wait3A_98 : memref<128xi32, #tpu.memory_space<hbm>>) dst(%dma_wait3A_97 : memref<128xi32, #tpu.memory_space<vmem>>)
    %dma_wait3A_99 = arith.constant 1 : i32
    %dma_wait3A_100 = arith.constant 0 : i32
    %dma_wait3A_101 = tpu.memref_slice %arg9[%dma_wait3A_99, %dma_wait3A_100] : memref<4x128xi32, #tpu.memory_space<vmem>> -> memref<1x128xi32, #tpu.memory_space<vmem>>
    %dma_wait3A_102 = tpu.memref_squeeze %dma_wait3A_101 : memref<1x128xi32, #tpu.memory_space<vmem>> -> memref<128xi32, #tpu.memory_space<vmem>>
    %dma_wait3A_103 = tpu.memref_slice %arg2[%add3A_6] : memref<16384xi32, #tpu.memory_space<hbm>> -> memref<128xi32, #tpu.memory_space<hbm>>
    %dma_wait3A_104 = arith.constant 0 : i32
    %dma_wait3A_105 = tpu.memref_slice %arg9[%dma_wait3A_99, %dma_wait3A_104] : memref<4x128xi32, #tpu.memory_space<vmem>> -> memref<1x128xi32, #tpu.memory_space<vmem>>
    %dma_wait3A_106 = tpu.memref_squeeze %dma_wait3A_105 : memref<1x128xi32, #tpu.memory_space<vmem>> -> memref<128xi32, #tpu.memory_space<vmem>>
    %dma_wait3A_107 = tpu.memref_slice %arg2[%add3A_6] : memref<16384xi32, #tpu.memory_space<hbm>> -> memref<128xi32, #tpu.memory_space<hbm>>
    tpu.wait_dma2 semaphore(%arg16 : memref<!tpu.dma_semaphore, #tpu.memory_space<semaphore_mem>>) src(%dma_wait3A_107 : memref<128xi32, #tpu.memory_space<hbm>>) dst(%dma_wait3A_106 : memref<128xi32, #tpu.memory_space<vmem>>)
    %dma_wait3A_108 = arith.constant 1 : i32
    %dma_wait3A_109 = arith.constant 0 : i32
    %dma_wait3A_110 = tpu.memref_slice %arg10[%dma_wait3A_108, %dma_wait3A_109] : memref<4x128xi32, #tpu.memory_space<vmem>> -> memref<1x128xi32, #tpu.memory_space<vmem>>
    %dma_wait3A_111 = tpu.memref_squeeze %dma_wait3A_110 : memref<1x128xi32, #tpu.memory_space<vmem>> -> memref<128xi32, #tpu.memory_space<vmem>>
    %dma_wait3A_112 = tpu.memref_slice %arg3[%add3A_6] : memref<16384xi32, #tpu.memory_space<hbm>> -> memref<128xi32, #tpu.memory_space<hbm>>
    %dma_wait3A_113 = arith.constant 0 : i32
    %dma_wait3A_114 = tpu.memref_slice %arg10[%dma_wait3A_108, %dma_wait3A_113] : memref<4x128xi32, #tpu.memory_space<vmem>> -> memref<1x128xi32, #tpu.memory_space<vmem>>
    %dma_wait3A_115 = tpu.memref_squeeze %dma_wait3A_114 : memref<1x128xi32, #tpu.memory_space<vmem>> -> memref<128xi32, #tpu.memory_space<vmem>>
    %dma_wait3A_116 = tpu.memref_slice %arg3[%add3A_6] : memref<16384xi32, #tpu.memory_space<hbm>> -> memref<128xi32, #tpu.memory_space<hbm>>
    tpu.wait_dma2 semaphore(%arg16 : memref<!tpu.dma_semaphore, #tpu.memory_space<semaphore_mem>>) src(%dma_wait3A_116 : memref<128xi32, #tpu.memory_space<hbm>>) dst(%dma_wait3A_115 : memref<128xi32, #tpu.memory_space<vmem>>)
    %dma_wait3A_117 = arith.constant 2 : i32
    %dma_wait3A_118 = arith.constant 0 : i32
    %dma_wait3A_119 = tpu.memref_slice %arg9[%dma_wait3A_117, %dma_wait3A_118] : memref<4x128xi32, #tpu.memory_space<vmem>> -> memref<1x128xi32, #tpu.memory_space<vmem>>
    %dma_wait3A_120 = tpu.memref_squeeze %dma_wait3A_119 : memref<1x128xi32, #tpu.memory_space<vmem>> -> memref<128xi32, #tpu.memory_space<vmem>>
    %dma_wait3A_121 = tpu.memref_slice %arg2[%add3A_8] : memref<16384xi32, #tpu.memory_space<hbm>> -> memref<128xi32, #tpu.memory_space<hbm>>
    %dma_wait3A_122 = arith.constant 0 : i32
    %dma_wait3A_123 = tpu.memref_slice %arg9[%dma_wait3A_117, %dma_wait3A_122] : memref<4x128xi32, #tpu.memory_space<vmem>> -> memref<1x128xi32, #tpu.memory_space<vmem>>
    %dma_wait3A_124 = tpu.memref_squeeze %dma_wait3A_123 : memref<1x128xi32, #tpu.memory_space<vmem>> -> memref<128xi32, #tpu.memory_space<vmem>>
    %dma_wait3A_125 = tpu.memref_slice %arg2[%add3A_8] : memref<16384xi32, #tpu.memory_space<hbm>> -> memref<128xi32, #tpu.memory_space<hbm>>
    tpu.wait_dma2 semaphore(%arg16 : memref<!tpu.dma_semaphore, #tpu.memory_space<semaphore_mem>>) src(%dma_wait3A_125 : memref<128xi32, #tpu.memory_space<hbm>>) dst(%dma_wait3A_124 : memref<128xi32, #tpu.memory_space<vmem>>)
    %dma_wait3A_126 = arith.constant 2 : i32
    %dma_wait3A_127 = arith.constant 0 : i32
    %dma_wait3A_128 = tpu.memref_slice %arg10[%dma_wait3A_126, %dma_wait3A_127] : memref<4x128xi32, #tpu.memory_space<vmem>> -> memref<1x128xi32, #tpu.memory_space<vmem>>
    %dma_wait3A_129 = tpu.memref_squeeze %dma_wait3A_128 : memref<1x128xi32, #tpu.memory_space<vmem>> -> memref<128xi32, #tpu.memory_space<vmem>>
    %dma_wait3A_130 = tpu.memref_slice %arg3[%add3A_8] : memref<16384xi32, #tpu.memory_space<hbm>> -> memref<128xi32, #tpu.memory_space<hbm>>
    %dma_wait3A_131 = arith.constant 0 : i32
    %dma_wait3A_132 = tpu.memref_slice %arg10[%dma_wait3A_126, %dma_wait3A_131] : memref<4x128xi32, #tpu.memory_space<vmem>> -> memref<1x128xi32, #tpu.memory_space<vmem>>
    %dma_wait3A_133 = tpu.memref_squeeze %dma_wait3A_132 : memref<1x128xi32, #tpu.memory_space<vmem>> -> memref<128xi32, #tpu.memory_space<vmem>>
    %dma_wait3A_134 = tpu.memref_slice %arg3[%add3A_8] : memref<16384xi32, #tpu.memory_space<hbm>> -> memref<128xi32, #tpu.memory_space<hbm>>
    tpu.wait_dma2 semaphore(%arg16 : memref<!tpu.dma_semaphore, #tpu.memory_space<semaphore_mem>>) src(%dma_wait3A_134 : memref<128xi32, #tpu.memory_space<hbm>>) dst(%dma_wait3A_133 : memref<128xi32, #tpu.memory_space<vmem>>)
    %dma_wait3A_135 = arith.constant 3 : i32
    %dma_wait3A_136 = arith.constant 0 : i32
    %dma_wait3A_137 = tpu.memref_slice %arg9[%dma_wait3A_135, %dma_wait3A_136] : memref<4x128xi32, #tpu.memory_space<vmem>> -> memref<1x128xi32, #tpu.memory_space<vmem>>
    %dma_wait3A_138 = tpu.memref_squeeze %dma_wait3A_137 : memref<1x128xi32, #tpu.memory_space<vmem>> -> memref<128xi32, #tpu.memory_space<vmem>>
    %dma_wait3A_139 = tpu.memref_slice %arg2[%add3A_10] : memref<16384xi32, #tpu.memory_space<hbm>> -> memref<128xi32, #tpu.memory_space<hbm>>
    %dma_wait3A_140 = arith.constant 0 : i32
    %dma_wait3A_141 = tpu.memref_slice %arg9[%dma_wait3A_135, %dma_wait3A_140] : memref<4x128xi32, #tpu.memory_space<vmem>> -> memref<1x128xi32, #tpu.memory_space<vmem>>
    %dma_wait3A_142 = tpu.memref_squeeze %dma_wait3A_141 : memref<1x128xi32, #tpu.memory_space<vmem>> -> memref<128xi32, #tpu.memory_space<vmem>>
    %dma_wait3A_143 = tpu.memref_slice %arg2[%add3A_10] : memref<16384xi32, #tpu.memory_space<hbm>> -> memref<128xi32, #tpu.memory_space<hbm>>
    tpu.wait_dma2 semaphore(%arg16 : memref<!tpu.dma_semaphore, #tpu.memory_space<semaphore_mem>>) src(%dma_wait3A_143 : memref<128xi32, #tpu.memory_space<hbm>>) dst(%dma_wait3A_142 : memref<128xi32, #tpu.memory_space<vmem>>)
    %dma_wait3A_144 = arith.constant 3 : i32
    %dma_wait3A_145 = arith.constant 0 : i32
    %dma_wait3A_146 = tpu.memref_slice %arg10[%dma_wait3A_144, %dma_wait3A_145] : memref<4x128xi32, #tpu.memory_space<vmem>> -> memref<1x128xi32, #tpu.memory_space<vmem>>
    %dma_wait3A_147 = tpu.memref_squeeze %dma_wait3A_146 : memref<1x128xi32, #tpu.memory_space<vmem>> -> memref<128xi32, #tpu.memory_space<vmem>>
    %dma_wait3A_148 = tpu.memref_slice %arg3[%add3A_10] : memref<16384xi32, #tpu.memory_space<hbm>> -> memref<128xi32, #tpu.memory_space<hbm>>
    %dma_wait3A_149 = arith.constant 0 : i32
    %dma_wait3A_150 = tpu.memref_slice %arg10[%dma_wait3A_144, %dma_wait3A_149] : memref<4x128xi32, #tpu.memory_space<vmem>> -> memref<1x128xi32, #tpu.memory_space<vmem>>
    %dma_wait3A_151 = tpu.memref_squeeze %dma_wait3A_150 : memref<1x128xi32, #tpu.memory_space<vmem>> -> memref<128xi32, #tpu.memory_space<vmem>>
    %dma_wait3A_152 = tpu.memref_slice %arg3[%add3A_10] : memref<16384xi32, #tpu.memory_space<hbm>> -> memref<128xi32, #tpu.memory_space<hbm>>
    tpu.wait_dma2 semaphore(%arg16 : memref<!tpu.dma_semaphore, #tpu.memory_space<semaphore_mem>>) src(%dma_wait3A_152 : memref<128xi32, #tpu.memory_space<hbm>>) dst(%dma_wait3A_151 : memref<128xi32, #tpu.memory_space<vmem>>)
    %dma_start3A_153 = arith.constant 0 : i32
    %dma_start3A_154 = arith.constant 0 : i32
    %dma_start3A_155 = arith.constant 0 : i32
    %dma_start3A_156 = tpu.memref_slice %arg11[%dma_start3A_154, %dma_start3A_155] : memref<512x32xf32, #tpu.memory_space<vmem>> -> memref<128x32xf32, #tpu.memory_space<vmem>>
    %dma_start3A_157 = arith.constant 0 : i32
    %dma_start3A_158 = tpu.memref_slice %arg9[%dma_start3A_153, %dma_start3A_157] : memref<4x128xi32, #tpu.memory_space<vmem>> -> memref<1x128xi32, #tpu.memory_space<vmem>>
    %dma_start3A_159 = tpu.memref_squeeze %dma_start3A_158 : memref<1x128xi32, #tpu.memory_space<vmem>> -> memref<128xi32, #tpu.memory_space<vmem>>
    %dma_start3A_160 = arith.constant 0 : i32
    %dma_start3A_161 = arith.constant 0 : i32
    %dma_start3A_162 = tpu.memref_slice %arg4[%dma_start3A_160, %dma_start3A_161] : memref<1000000x32xf32, #tpu.memory_space<hbm>> -> memref<1000000x32xf32, #tpu.memory_space<hbm>>
    tpu.enqueue_indirect_dma source(%dma_start3A_162 : memref<1000000x32xf32, #tpu.memory_space<hbm>>) target(%dma_start3A_156 : memref<128x32xf32, #tpu.memory_space<vmem>>) offsets(%dma_start3A_159 : memref<128xi32, #tpu.memory_space<vmem>>) semaphore(%arg16 : memref<!tpu.dma_semaphore, #tpu.memory_space<semaphore_mem>>)
    %dma_start3A_163 = arith.constant 0 : i32
    %dma_start3A_164 = arith.constant 0 : i32
    %dma_start3A_165 = arith.constant 0 : i32
    %dma_start3A_166 = tpu.memref_slice %arg12[%dma_start3A_164, %dma_start3A_165] : memref<512x32xf32, #tpu.memory_space<vmem>> -> memref<128x32xf32, #tpu.memory_space<vmem>>
    %dma_start3A_167 = arith.constant 0 : i32
    %dma_start3A_168 = tpu.memref_slice %arg10[%dma_start3A_163, %dma_start3A_167] : memref<4x128xi32, #tpu.memory_space<vmem>> -> memref<1x128xi32, #tpu.memory_space<vmem>>
    %dma_start3A_169 = tpu.memref_squeeze %dma_start3A_168 : memref<1x128xi32, #tpu.memory_space<vmem>> -> memref<128xi32, #tpu.memory_space<vmem>>
    %dma_start3A_170 = arith.constant 0 : i32
    %dma_start3A_171 = arith.constant 0 : i32
    %dma_start3A_172 = tpu.memref_slice %arg5[%dma_start3A_170, %dma_start3A_171] : memref<1000000x32xf32, #tpu.memory_space<hbm>> -> memref<1000000x32xf32, #tpu.memory_space<hbm>>
    tpu.enqueue_indirect_dma source(%dma_start3A_172 : memref<1000000x32xf32, #tpu.memory_space<hbm>>) target(%dma_start3A_166 : memref<128x32xf32, #tpu.memory_space<vmem>>) offsets(%dma_start3A_169 : memref<128xi32, #tpu.memory_space<vmem>>) semaphore(%arg16 : memref<!tpu.dma_semaphore, #tpu.memory_space<semaphore_mem>>)
    %dma_start3A_173 = arith.constant 0 : i32
    %dma_start3A_174 = arith.constant 0 : i32
    %dma_start3A_175 = tpu.memref_slice %arg13[%dma_start3A_174] : memref<512xf32, #tpu.memory_space<vmem>> -> memref<128xf32, #tpu.memory_space<vmem>>
    %dma_start3A_176 = arith.constant 0 : i32
    %dma_start3A_177 = tpu.memref_slice %arg9[%dma_start3A_173, %dma_start3A_176] : memref<4x128xi32, #tpu.memory_space<vmem>> -> memref<1x128xi32, #tpu.memory_space<vmem>>
    %dma_start3A_178 = tpu.memref_squeeze %dma_start3A_177 : memref<1x128xi32, #tpu.memory_space<vmem>> -> memref<128xi32, #tpu.memory_space<vmem>>
    %dma_start3A_179 = arith.constant 0 : i32
    %dma_start3A_180 = tpu.memref_slice %arg6[%dma_start3A_179] : memref<1000000xf32, #tpu.memory_space<hbm>> -> memref<1000000xf32, #tpu.memory_space<hbm>>
    tpu.enqueue_indirect_dma source(%dma_start3A_180 : memref<1000000xf32, #tpu.memory_space<hbm>>) target(%dma_start3A_175 : memref<128xf32, #tpu.memory_space<vmem>>) offsets(%dma_start3A_178 : memref<128xi32, #tpu.memory_space<vmem>>) semaphore(%arg16 : memref<!tpu.dma_semaphore, #tpu.memory_space<semaphore_mem>>)
    %dma_start3A_181 = arith.constant 0 : i32
    %dma_start3A_182 = arith.constant 0 : i32
    %dma_start3A_183 = tpu.memref_slice %arg14[%dma_start3A_182] : memref<512xf32, #tpu.memory_space<vmem>> -> memref<128xf32, #tpu.memory_space<vmem>>
    %dma_start3A_184 = arith.constant 0 : i32
    %dma_start3A_185 = tpu.memref_slice %arg10[%dma_start3A_181, %dma_start3A_184] : memref<4x128xi32, #tpu.memory_space<vmem>> -> memref<1x128xi32, #tpu.memory_space<vmem>>
    %dma_start3A_186 = tpu.memref_squeeze %dma_start3A_185 : memref<1x128xi32, #tpu.memory_space<vmem>> -> memref<128xi32, #tpu.memory_space<vmem>>
    %dma_start3A_187 = arith.constant 0 : i32
    %dma_start3A_188 = tpu.memref_slice %arg7[%dma_start3A_187] : memref<1000000xf32, #tpu.memory_space<hbm>> -> memref<1000000xf32, #tpu.memory_space<hbm>>
    tpu.enqueue_indirect_dma source(%dma_start3A_188 : memref<1000000xf32, #tpu.memory_space<hbm>>) target(%dma_start3A_183 : memref<128xf32, #tpu.memory_space<vmem>>) offsets(%dma_start3A_186 : memref<128xi32, #tpu.memory_space<vmem>>) semaphore(%arg16 : memref<!tpu.dma_semaphore, #tpu.memory_space<semaphore_mem>>)
    %dma_start3A_189 = arith.constant 1 : i32
    %dma_start3A_190 = arith.constant 128 : i32
    %dma_start3A_191 = arith.constant 0 : i32
    %dma_start3A_192 = tpu.memref_slice %arg11[%dma_start3A_190, %dma_start3A_191] : memref<512x32xf32, #tpu.memory_space<vmem>> -> memref<128x32xf32, #tpu.memory_space<vmem>>
    %dma_start3A_193 = arith.constant 0 : i32
    %dma_start3A_194 = tpu.memref_slice %arg9[%dma_start3A_189, %dma_start3A_193] : memref<4x128xi32, #tpu.memory_space<vmem>> -> memref<1x128xi32, #tpu.memory_space<vmem>>
    %dma_start3A_195 = tpu.memref_squeeze %dma_start3A_194 : memref<1x128xi32, #tpu.memory_space<vmem>> -> memref<128xi32, #tpu.memory_space<vmem>>
    %dma_start3A_196 = arith.constant 0 : i32
    %dma_start3A_197 = arith.constant 0 : i32
    %dma_start3A_198 = tpu.memref_slice %arg4[%dma_start3A_196, %dma_start3A_197] : memref<1000000x32xf32, #tpu.memory_space<hbm>> -> memref<1000000x32xf32, #tpu.memory_space<hbm>>
    tpu.enqueue_indirect_dma source(%dma_start3A_198 : memref<1000000x32xf32, #tpu.memory_space<hbm>>) target(%dma_start3A_192 : memref<128x32xf32, #tpu.memory_space<vmem>>) offsets(%dma_start3A_195 : memref<128xi32, #tpu.memory_space<vmem>>) semaphore(%arg16 : memref<!tpu.dma_semaphore, #tpu.memory_space<semaphore_mem>>)
    %dma_start3A_199 = arith.constant 1 : i32
    %dma_start3A_200 = arith.constant 128 : i32
    %dma_start3A_201 = arith.constant 0 : i32
    %dma_start3A_202 = tpu.memref_slice %arg12[%dma_start3A_200, %dma_start3A_201] : memref<512x32xf32, #tpu.memory_space<vmem>> -> memref<128x32xf32, #tpu.memory_space<vmem>>
    %dma_start3A_203 = arith.constant 0 : i32
    %dma_start3A_204 = tpu.memref_slice %arg10[%dma_start3A_199, %dma_start3A_203] : memref<4x128xi32, #tpu.memory_space<vmem>> -> memref<1x128xi32, #tpu.memory_space<vmem>>
    %dma_start3A_205 = tpu.memref_squeeze %dma_start3A_204 : memref<1x128xi32, #tpu.memory_space<vmem>> -> memref<128xi32, #tpu.memory_space<vmem>>
    %dma_start3A_206 = arith.constant 0 : i32
    %dma_start3A_207 = arith.constant 0 : i32
    %dma_start3A_208 = tpu.memref_slice %arg5[%dma_start3A_206, %dma_start3A_207] : memref<1000000x32xf32, #tpu.memory_space<hbm>> -> memref<1000000x32xf32, #tpu.memory_space<hbm>>
    tpu.enqueue_indirect_dma source(%dma_start3A_208 : memref<1000000x32xf32, #tpu.memory_space<hbm>>) target(%dma_start3A_202 : memref<128x32xf32, #tpu.memory_space<vmem>>) offsets(%dma_start3A_205 : memref<128xi32, #tpu.memory_space<vmem>>) semaphore(%arg16 : memref<!tpu.dma_semaphore, #tpu.memory_space<semaphore_mem>>)
    %dma_start3A_209 = arith.constant 1 : i32
    %dma_start3A_210 = arith.constant 128 : i32
    %dma_start3A_211 = tpu.memref_slice %arg13[%dma_start3A_210] : memref<512xf32, #tpu.memory_space<vmem>> -> memref<128xf32, #tpu.memory_space<vmem>>
    %dma_start3A_212 = arith.constant 0 : i32
    %dma_start3A_213 = tpu.memref_slice %arg9[%dma_start3A_209, %dma_start3A_212] : memref<4x128xi32, #tpu.memory_space<vmem>> -> memref<1x128xi32, #tpu.memory_space<vmem>>
    %dma_start3A_214 = tpu.memref_squeeze %dma_start3A_213 : memref<1x128xi32, #tpu.memory_space<vmem>> -> memref<128xi32, #tpu.memory_space<vmem>>
    %dma_start3A_215 = arith.constant 0 : i32
    %dma_start3A_216 = tpu.memref_slice %arg6[%dma_start3A_215] : memref<1000000xf32, #tpu.memory_space<hbm>> -> memref<1000000xf32, #tpu.memory_space<hbm>>
    tpu.enqueue_indirect_dma source(%dma_start3A_216 : memref<1000000xf32, #tpu.memory_space<hbm>>) target(%dma_start3A_211 : memref<128xf32, #tpu.memory_space<vmem>>) offsets(%dma_start3A_214 : memref<128xi32, #tpu.memory_space<vmem>>) semaphore(%arg16 : memref<!tpu.dma_semaphore, #tpu.memory_space<semaphore_mem>>)
    %dma_start3A_217 = arith.constant 1 : i32
    %dma_start3A_218 = arith.constant 128 : i32
    %dma_start3A_219 = tpu.memref_slice %arg14[%dma_start3A_218] : memref<512xf32, #tpu.memory_space<vmem>> -> memref<128xf32, #tpu.memory_space<vmem>>
    %dma_start3A_220 = arith.constant 0 : i32
    %dma_start3A_221 = tpu.memref_slice %arg10[%dma_start3A_217, %dma_start3A_220] : memref<4x128xi32, #tpu.memory_space<vmem>> -> memref<1x128xi32, #tpu.memory_space<vmem>>
    %dma_start3A_222 = tpu.memref_squeeze %dma_start3A_221 : memref<1x128xi32, #tpu.memory_space<vmem>> -> memref<128xi32, #tpu.memory_space<vmem>>
    %dma_start3A_223 = arith.constant 0 : i32
    %dma_start3A_224 = tpu.memref_slice %arg7[%dma_start3A_223] : memref<1000000xf32, #tpu.memory_space<hbm>> -> memref<1000000xf32, #tpu.memory_space<hbm>>
    tpu.enqueue_indirect_dma source(%dma_start3A_224 : memref<1000000xf32, #tpu.memory_space<hbm>>) target(%dma_start3A_219 : memref<128xf32, #tpu.memory_space<vmem>>) offsets(%dma_start3A_222 : memref<128xi32, #tpu.memory_space<vmem>>) semaphore(%arg16 : memref<!tpu.dma_semaphore, #tpu.memory_space<semaphore_mem>>)
    %dma_start3A_225 = arith.constant 2 : i32
    %dma_start3A_226 = arith.constant 256 : i32
    %dma_start3A_227 = arith.constant 0 : i32
    %dma_start3A_228 = tpu.memref_slice %arg11[%dma_start3A_226, %dma_start3A_227] : memref<512x32xf32, #tpu.memory_space<vmem>> -> memref<128x32xf32, #tpu.memory_space<vmem>>
    %dma_start3A_229 = arith.constant 0 : i32
    %dma_start3A_230 = tpu.memref_slice %arg9[%dma_start3A_225, %dma_start3A_229] : memref<4x128xi32, #tpu.memory_space<vmem>> -> memref<1x128xi32, #tpu.memory_space<vmem>>
    %dma_start3A_231 = tpu.memref_squeeze %dma_start3A_230 : memref<1x128xi32, #tpu.memory_space<vmem>> -> memref<128xi32, #tpu.memory_space<vmem>>
    %dma_start3A_232 = arith.constant 0 : i32
    %dma_start3A_233 = arith.constant 0 : i32
    %dma_start3A_234 = tpu.memref_slice %arg4[%dma_start3A_232, %dma_start3A_233] : memref<1000000x32xf32, #tpu.memory_space<hbm>> -> memref<1000000x32xf32, #tpu.memory_space<hbm>>
    tpu.enqueue_indirect_dma source(%dma_start3A_234 : memref<1000000x32xf32, #tpu.memory_space<hbm>>) target(%dma_start3A_228 : memref<128x32xf32, #tpu.memory_space<vmem>>) offsets(%dma_start3A_231 : memref<128xi32, #tpu.memory_space<vmem>>) semaphore(%arg16 : memref<!tpu.dma_semaphore, #tpu.memory_space<semaphore_mem>>)
    %dma_start3A_235 = arith.constant 2 : i32
    %dma_start3A_236 = arith.constant 256 : i32
    %dma_start3A_237 = arith.constant 0 : i32
    %dma_start3A_238 = tpu.memref_slice %arg12[%dma_start3A_236, %dma_start3A_237] : memref<512x32xf32, #tpu.memory_space<vmem>> -> memref<128x32xf32, #tpu.memory_space<vmem>>
    %dma_start3A_239 = arith.constant 0 : i32
    %dma_start3A_240 = tpu.memref_slice %arg10[%dma_start3A_235, %dma_start3A_239] : memref<4x128xi32, #tpu.memory_space<vmem>> -> memref<1x128xi32, #tpu.memory_space<vmem>>
    %dma_start3A_241 = tpu.memref_squeeze %dma_start3A_240 : memref<1x128xi32, #tpu.memory_space<vmem>> -> memref<128xi32, #tpu.memory_space<vmem>>
    %dma_start3A_242 = arith.constant 0 : i32
    %dma_start3A_243 = arith.constant 0 : i32
    %dma_start3A_244 = tpu.memref_slice %arg5[%dma_start3A_242, %dma_start3A_243] : memref<1000000x32xf32, #tpu.memory_space<hbm>> -> memref<1000000x32xf32, #tpu.memory_space<hbm>>
    tpu.enqueue_indirect_dma source(%dma_start3A_244 : memref<1000000x32xf32, #tpu.memory_space<hbm>>) target(%dma_start3A_238 : memref<128x32xf32, #tpu.memory_space<vmem>>) offsets(%dma_start3A_241 : memref<128xi32, #tpu.memory_space<vmem>>) semaphore(%arg16 : memref<!tpu.dma_semaphore, #tpu.memory_space<semaphore_mem>>)
    %dma_start3A_245 = arith.constant 2 : i32
    %dma_start3A_246 = arith.constant 256 : i32
    %dma_start3A_247 = tpu.memref_slice %arg13[%dma_start3A_246] : memref<512xf32, #tpu.memory_space<vmem>> -> memref<128xf32, #tpu.memory_space<vmem>>
    %dma_start3A_248 = arith.constant 0 : i32
    %dma_start3A_249 = tpu.memref_slice %arg9[%dma_start3A_245, %dma_start3A_248] : memref<4x128xi32, #tpu.memory_space<vmem>> -> memref<1x128xi32, #tpu.memory_space<vmem>>
    %dma_start3A_250 = tpu.memref_squeeze %dma_start3A_249 : memref<1x128xi32, #tpu.memory_space<vmem>> -> memref<128xi32, #tpu.memory_space<vmem>>
    %dma_start3A_251 = arith.constant 0 : i32
    %dma_start3A_252 = tpu.memref_slice %arg6[%dma_start3A_251] : memref<1000000xf32, #tpu.memory_space<hbm>> -> memref<1000000xf32, #tpu.memory_space<hbm>>
    tpu.enqueue_indirect_dma source(%dma_start3A_252 : memref<1000000xf32, #tpu.memory_space<hbm>>) target(%dma_start3A_247 : memref<128xf32, #tpu.memory_space<vmem>>) offsets(%dma_start3A_250 : memref<128xi32, #tpu.memory_space<vmem>>) semaphore(%arg16 : memref<!tpu.dma_semaphore, #tpu.memory_space<semaphore_mem>>)
    %dma_start3A_253 = arith.constant 2 : i32
    %dma_start3A_254 = arith.constant 256 : i32
    %dma_start3A_255 = tpu.memref_slice %arg14[%dma_start3A_254] : memref<512xf32, #tpu.memory_space<vmem>> -> memref<128xf32, #tpu.memory_space<vmem>>
    %dma_start3A_256 = arith.constant 0 : i32
    %dma_start3A_257 = tpu.memref_slice %arg10[%dma_start3A_253, %dma_start3A_256] : memref<4x128xi32, #tpu.memory_space<vmem>> -> memref<1x128xi32, #tpu.memory_space<vmem>>
    %dma_start3A_258 = tpu.memref_squeeze %dma_start3A_257 : memref<1x128xi32, #tpu.memory_space<vmem>> -> memref<128xi32, #tpu.memory_space<vmem>>
    %dma_start3A_259 = arith.constant 0 : i32
    %dma_start3A_260 = tpu.memref_slice %arg7[%dma_start3A_259] : memref<1000000xf32, #tpu.memory_space<hbm>> -> memref<1000000xf32, #tpu.memory_space<hbm>>
    tpu.enqueue_indirect_dma source(%dma_start3A_260 : memref<1000000xf32, #tpu.memory_space<hbm>>) target(%dma_start3A_255 : memref<128xf32, #tpu.memory_space<vmem>>) offsets(%dma_start3A_258 : memref<128xi32, #tpu.memory_space<vmem>>) semaphore(%arg16 : memref<!tpu.dma_semaphore, #tpu.memory_space<semaphore_mem>>)
    %dma_start3A_261 = arith.constant 3 : i32
    %dma_start3A_262 = arith.constant 384 : i32
    %dma_start3A_263 = arith.constant 0 : i32
    %dma_start3A_264 = tpu.memref_slice %arg11[%dma_start3A_262, %dma_start3A_263] : memref<512x32xf32, #tpu.memory_space<vmem>> -> memref<128x32xf32, #tpu.memory_space<vmem>>
    %dma_start3A_265 = arith.constant 0 : i32
    %dma_start3A_266 = tpu.memref_slice %arg9[%dma_start3A_261, %dma_start3A_265] : memref<4x128xi32, #tpu.memory_space<vmem>> -> memref<1x128xi32, #tpu.memory_space<vmem>>
    %dma_start3A_267 = tpu.memref_squeeze %dma_start3A_266 : memref<1x128xi32, #tpu.memory_space<vmem>> -> memref<128xi32, #tpu.memory_space<vmem>>
    %dma_start3A_268 = arith.constant 0 : i32
    %dma_start3A_269 = arith.constant 0 : i32
    %dma_start3A_270 = tpu.memref_slice %arg4[%dma_start3A_268, %dma_start3A_269] : memref<1000000x32xf32, #tpu.memory_space<hbm>> -> memref<1000000x32xf32, #tpu.memory_space<hbm>>
    tpu.enqueue_indirect_dma source(%dma_start3A_270 : memref<1000000x32xf32, #tpu.memory_space<hbm>>) target(%dma_start3A_264 : memref<128x32xf32, #tpu.memory_space<vmem>>) offsets(%dma_start3A_267 : memref<128xi32, #tpu.memory_space<vmem>>) semaphore(%arg16 : memref<!tpu.dma_semaphore, #tpu.memory_space<semaphore_mem>>)
    %dma_start3A_271 = arith.constant 3 : i32
    %dma_start3A_272 = arith.constant 384 : i32
    %dma_start3A_273 = arith.constant 0 : i32
    %dma_start3A_274 = tpu.memref_slice %arg12[%dma_start3A_272, %dma_start3A_273] : memref<512x32xf32, #tpu.memory_space<vmem>> -> memref<128x32xf32, #tpu.memory_space<vmem>>
    %dma_start3A_275 = arith.constant 0 : i32
    %dma_start3A_276 = tpu.memref_slice %arg10[%dma_start3A_271, %dma_start3A_275] : memref<4x128xi32, #tpu.memory_space<vmem>> -> memref<1x128xi32, #tpu.memory_space<vmem>>
    %dma_start3A_277 = tpu.memref_squeeze %dma_start3A_276 : memref<1x128xi32, #tpu.memory_space<vmem>> -> memref<128xi32, #tpu.memory_space<vmem>>
    %dma_start3A_278 = arith.constant 0 : i32
    %dma_start3A_279 = arith.constant 0 : i32
    %dma_start3A_280 = tpu.memref_slice %arg5[%dma_start3A_278, %dma_start3A_279] : memref<1000000x32xf32, #tpu.memory_space<hbm>> -> memref<1000000x32xf32, #tpu.memory_space<hbm>>
    tpu.enqueue_indirect_dma source(%dma_start3A_280 : memref<1000000x32xf32, #tpu.memory_space<hbm>>) target(%dma_start3A_274 : memref<128x32xf32, #tpu.memory_space<vmem>>) offsets(%dma_start3A_277 : memref<128xi32, #tpu.memory_space<vmem>>) semaphore(%arg16 : memref<!tpu.dma_semaphore, #tpu.memory_space<semaphore_mem>>)
    %dma_start3A_281 = arith.constant 3 : i32
    %dma_start3A_282 = arith.constant 384 : i32
    %dma_start3A_283 = tpu.memref_slice %arg13[%dma_start3A_282] : memref<512xf32, #tpu.memory_space<vmem>> -> memref<128xf32, #tpu.memory_space<vmem>>
    %dma_start3A_284 = arith.constant 0 : i32
    %dma_start3A_285 = tpu.memref_slice %arg9[%dma_start3A_281, %dma_start3A_284] : memref<4x128xi32, #tpu.memory_space<vmem>> -> memref<1x128xi32, #tpu.memory_space<vmem>>
    %dma_start3A_286 = tpu.memref_squeeze %dma_start3A_285 : memref<1x128xi32, #tpu.memory_space<vmem>> -> memref<128xi32, #tpu.memory_space<vmem>>
    %dma_start3A_287 = arith.constant 0 : i32
    %dma_start3A_288 = tpu.memref_slice %arg6[%dma_start3A_287] : memref<1000000xf32, #tpu.memory_space<hbm>> -> memref<1000000xf32, #tpu.memory_space<hbm>>
    tpu.enqueue_indirect_dma source(%dma_start3A_288 : memref<1000000xf32, #tpu.memory_space<hbm>>) target(%dma_start3A_283 : memref<128xf32, #tpu.memory_space<vmem>>) offsets(%dma_start3A_286 : memref<128xi32, #tpu.memory_space<vmem>>) semaphore(%arg16 : memref<!tpu.dma_semaphore, #tpu.memory_space<semaphore_mem>>)
    %dma_start3A_289 = arith.constant 3 : i32
    %dma_start3A_290 = arith.constant 384 : i32
    %dma_start3A_291 = tpu.memref_slice %arg14[%dma_start3A_290] : memref<512xf32, #tpu.memory_space<vmem>> -> memref<128xf32, #tpu.memory_space<vmem>>
    %dma_start3A_292 = arith.constant 0 : i32
    %dma_start3A_293 = tpu.memref_slice %arg10[%dma_start3A_289, %dma_start3A_292] : memref<4x128xi32, #tpu.memory_space<vmem>> -> memref<1x128xi32, #tpu.memory_space<vmem>>
    %dma_start3A_294 = tpu.memref_squeeze %dma_start3A_293 : memref<1x128xi32, #tpu.memory_space<vmem>> -> memref<128xi32, #tpu.memory_space<vmem>>
    %dma_start3A_295 = arith.constant 0 : i32
    %dma_start3A_296 = tpu.memref_slice %arg7[%dma_start3A_295] : memref<1000000xf32, #tpu.memory_space<hbm>> -> memref<1000000xf32, #tpu.memory_space<hbm>>
    tpu.enqueue_indirect_dma source(%dma_start3A_296 : memref<1000000xf32, #tpu.memory_space<hbm>>) target(%dma_start3A_291 : memref<128xf32, #tpu.memory_space<vmem>>) offsets(%dma_start3A_294 : memref<128xi32, #tpu.memory_space<vmem>>) semaphore(%arg16 : memref<!tpu.dma_semaphore, #tpu.memory_space<semaphore_mem>>)
    %dma_wait3A_297 = arith.constant 0 : i32
    %dma_wait3A_298 = arith.constant 0 : i32
    %dma_wait3A_299 = arith.constant 0 : i32
    %dma_wait3A_300 = tpu.memref_slice %arg11[%dma_wait3A_298, %dma_wait3A_299] : memref<512x32xf32, #tpu.memory_space<vmem>> -> memref<128x32xf32, #tpu.memory_space<vmem>>
    %dma_wait3A_301 = arith.constant 0 : i32
    %dma_wait3A_302 = tpu.memref_slice %arg9[%dma_wait3A_297, %dma_wait3A_301] : memref<4x128xi32, #tpu.memory_space<vmem>> -> memref<1x128xi32, #tpu.memory_space<vmem>>
    %dma_wait3A_303 = tpu.memref_squeeze %dma_wait3A_302 : memref<1x128xi32, #tpu.memory_space<vmem>> -> memref<128xi32, #tpu.memory_space<vmem>>
    %dma_wait3A_304 = arith.constant 0 : i32
    %dma_wait3A_305 = arith.constant 0 : i32
    %dma_wait3A_306 = tpu.memref_slice %arg4[%dma_wait3A_304, %dma_wait3A_305] : memref<1000000x32xf32, #tpu.memory_space<hbm>> -> memref<1000000x32xf32, #tpu.memory_space<hbm>>
    tpu.wait_indirect_dma semaphore(%arg16 : memref<!tpu.dma_semaphore, #tpu.memory_space<semaphore_mem>>) src(%dma_wait3A_306 : memref<1000000x32xf32, #tpu.memory_space<hbm>>) dst(%dma_wait3A_300 : memref<128x32xf32, #tpu.memory_space<vmem>>)
    %dma_wait3A_307 = arith.constant 0 : i32
    %dma_wait3A_308 = arith.constant 0 : i32
    %dma_wait3A_309 = arith.constant 0 : i32
    %dma_wait3A_310 = tpu.memref_slice %arg12[%dma_wait3A_308, %dma_wait3A_309] : memref<512x32xf32, #tpu.memory_space<vmem>> -> memref<128x32xf32, #tpu.memory_space<vmem>>
    %dma_wait3A_311 = arith.constant 0 : i32
    %dma_wait3A_312 = tpu.memref_slice %arg10[%dma_wait3A_307, %dma_wait3A_311] : memref<4x128xi32, #tpu.memory_space<vmem>> -> memref<1x128xi32, #tpu.memory_space<vmem>>
    %dma_wait3A_313 = tpu.memref_squeeze %dma_wait3A_312 : memref<1x128xi32, #tpu.memory_space<vmem>> -> memref<128xi32, #tpu.memory_space<vmem>>
    %dma_wait3A_314 = arith.constant 0 : i32
    %dma_wait3A_315 = arith.constant 0 : i32
    %dma_wait3A_316 = tpu.memref_slice %arg5[%dma_wait3A_314, %dma_wait3A_315] : memref<1000000x32xf32, #tpu.memory_space<hbm>> -> memref<1000000x32xf32, #tpu.memory_space<hbm>>
    tpu.wait_indirect_dma semaphore(%arg16 : memref<!tpu.dma_semaphore, #tpu.memory_space<semaphore_mem>>) src(%dma_wait3A_316 : memref<1000000x32xf32, #tpu.memory_space<hbm>>) dst(%dma_wait3A_310 : memref<128x32xf32, #tpu.memory_space<vmem>>)
    %dma_wait3A_317 = arith.constant 0 : i32
    %dma_wait3A_318 = arith.constant 0 : i32
    %dma_wait3A_319 = tpu.memref_slice %arg13[%dma_wait3A_318] : memref<512xf32, #tpu.memory_space<vmem>> -> memref<128xf32, #tpu.memory_space<vmem>>
    %dma_wait3A_320 = arith.constant 0 : i32
    %dma_wait3A_321 = tpu.memref_slice %arg9[%dma_wait3A_317, %dma_wait3A_320] : memref<4x128xi32, #tpu.memory_space<vmem>> -> memref<1x128xi32, #tpu.memory_space<vmem>>
    %dma_wait3A_322 = tpu.memref_squeeze %dma_wait3A_321 : memref<1x128xi32, #tpu.memory_space<vmem>> -> memref<128xi32, #tpu.memory_space<vmem>>
    %dma_wait3A_323 = arith.constant 0 : i32
    %dma_wait3A_324 = tpu.memref_slice %arg6[%dma_wait3A_323] : memref<1000000xf32, #tpu.memory_space<hbm>> -> memref<1000000xf32, #tpu.memory_space<hbm>>
    tpu.wait_indirect_dma semaphore(%arg16 : memref<!tpu.dma_semaphore, #tpu.memory_space<semaphore_mem>>) src(%dma_wait3A_324 : memref<1000000xf32, #tpu.memory_space<hbm>>) dst(%dma_wait3A_319 : memref<128xf32, #tpu.memory_space<vmem>>)
    %dma_wait3A_325 = arith.constant 0 : i32
    %dma_wait3A_326 = arith.constant 0 : i32
    %dma_wait3A_327 = tpu.memref_slice %arg14[%dma_wait3A_326] : memref<512xf32, #tpu.memory_space<vmem>> -> memref<128xf32, #tpu.memory_space<vmem>>
    %dma_wait3A_328 = arith.constant 0 : i32
    %dma_wait3A_329 = tpu.memref_slice %arg10[%dma_wait3A_325, %dma_wait3A_328] : memref<4x128xi32, #tpu.memory_space<vmem>> -> memref<1x128xi32, #tpu.memory_space<vmem>>
    %dma_wait3A_330 = tpu.memref_squeeze %dma_wait3A_329 : memref<1x128xi32, #tpu.memory_space<vmem>> -> memref<128xi32, #tpu.memory_space<vmem>>
    %dma_wait3A_331 = arith.constant 0 : i32
    %dma_wait3A_332 = tpu.memref_slice %arg7[%dma_wait3A_331] : memref<1000000xf32, #tpu.memory_space<hbm>> -> memref<1000000xf32, #tpu.memory_space<hbm>>
    tpu.wait_indirect_dma semaphore(%arg16 : memref<!tpu.dma_semaphore, #tpu.memory_space<semaphore_mem>>) src(%dma_wait3A_332 : memref<1000000xf32, #tpu.memory_space<hbm>>) dst(%dma_wait3A_327 : memref<128xf32, #tpu.memory_space<vmem>>)
    %dma_wait3A_333 = arith.constant 1 : i32
    %dma_wait3A_334 = arith.constant 128 : i32
    %dma_wait3A_335 = arith.constant 0 : i32
    %dma_wait3A_336 = tpu.memref_slice %arg11[%dma_wait3A_334, %dma_wait3A_335] : memref<512x32xf32, #tpu.memory_space<vmem>> -> memref<128x32xf32, #tpu.memory_space<vmem>>
    %dma_wait3A_337 = arith.constant 0 : i32
    %dma_wait3A_338 = tpu.memref_slice %arg9[%dma_wait3A_333, %dma_wait3A_337] : memref<4x128xi32, #tpu.memory_space<vmem>> -> memref<1x128xi32, #tpu.memory_space<vmem>>
    %dma_wait3A_339 = tpu.memref_squeeze %dma_wait3A_338 : memref<1x128xi32, #tpu.memory_space<vmem>> -> memref<128xi32, #tpu.memory_space<vmem>>
    %dma_wait3A_340 = arith.constant 0 : i32
    %dma_wait3A_341 = arith.constant 0 : i32
    %dma_wait3A_342 = tpu.memref_slice %arg4[%dma_wait3A_340, %dma_wait3A_341] : memref<1000000x32xf32, #tpu.memory_space<hbm>> -> memref<1000000x32xf32, #tpu.memory_space<hbm>>
    tpu.wait_indirect_dma semaphore(%arg16 : memref<!tpu.dma_semaphore, #tpu.memory_space<semaphore_mem>>) src(%dma_wait3A_342 : memref<1000000x32xf32, #tpu.memory_space<hbm>>) dst(%dma_wait3A_336 : memref<128x32xf32, #tpu.memory_space<vmem>>)
    %dma_wait3A_343 = arith.constant 1 : i32
    %dma_wait3A_344 = arith.constant 128 : i32
    %dma_wait3A_345 = arith.constant 0 : i32
    %dma_wait3A_346 = tpu.memref_slice %arg12[%dma_wait3A_344, %dma_wait3A_345] : memref<512x32xf32, #tpu.memory_space<vmem>> -> memref<128x32xf32, #tpu.memory_space<vmem>>
    %dma_wait3A_347 = arith.constant 0 : i32
    %dma_wait3A_348 = tpu.memref_slice %arg10[%dma_wait3A_343, %dma_wait3A_347] : memref<4x128xi32, #tpu.memory_space<vmem>> -> memref<1x128xi32, #tpu.memory_space<vmem>>
    %dma_wait3A_349 = tpu.memref_squeeze %dma_wait3A_348 : memref<1x128xi32, #tpu.memory_space<vmem>> -> memref<128xi32, #tpu.memory_space<vmem>>
    %dma_wait3A_350 = arith.constant 0 : i32
    %dma_wait3A_351 = arith.constant 0 : i32
    %dma_wait3A_352 = tpu.memref_slice %arg5[%dma_wait3A_350, %dma_wait3A_351] : memref<1000000x32xf32, #tpu.memory_space<hbm>> -> memref<1000000x32xf32, #tpu.memory_space<hbm>>
    tpu.wait_indirect_dma semaphore(%arg16 : memref<!tpu.dma_semaphore, #tpu.memory_space<semaphore_mem>>) src(%dma_wait3A_352 : memref<1000000x32xf32, #tpu.memory_space<hbm>>) dst(%dma_wait3A_346 : memref<128x32xf32, #tpu.memory_space<vmem>>)
    %dma_wait3A_353 = arith.constant 1 : i32
    %dma_wait3A_354 = arith.constant 128 : i32
    %dma_wait3A_355 = tpu.memref_slice %arg13[%dma_wait3A_354] : memref<512xf32, #tpu.memory_space<vmem>> -> memref<128xf32, #tpu.memory_space<vmem>>
    %dma_wait3A_356 = arith.constant 0 : i32
    %dma_wait3A_357 = tpu.memref_slice %arg9[%dma_wait3A_353, %dma_wait3A_356] : memref<4x128xi32, #tpu.memory_space<vmem>> -> memref<1x128xi32, #tpu.memory_space<vmem>>
    %dma_wait3A_358 = tpu.memref_squeeze %dma_wait3A_357 : memref<1x128xi32, #tpu.memory_space<vmem>> -> memref<128xi32, #tpu.memory_space<vmem>>
    %dma_wait3A_359 = arith.constant 0 : i32
    %dma_wait3A_360 = tpu.memref_slice %arg6[%dma_wait3A_359] : memref<1000000xf32, #tpu.memory_space<hbm>> -> memref<1000000xf32, #tpu.memory_space<hbm>>
    tpu.wait_indirect_dma semaphore(%arg16 : memref<!tpu.dma_semaphore, #tpu.memory_space<semaphore_mem>>) src(%dma_wait3A_360 : memref<1000000xf32, #tpu.memory_space<hbm>>) dst(%dma_wait3A_355 : memref<128xf32, #tpu.memory_space<vmem>>)
    %dma_wait3A_361 = arith.constant 1 : i32
    %dma_wait3A_362 = arith.constant 128 : i32
    %dma_wait3A_363 = tpu.memref_slice %arg14[%dma_wait3A_362] : memref<512xf32, #tpu.memory_space<vmem>> -> memref<128xf32, #tpu.memory_space<vmem>>
    %dma_wait3A_364 = arith.constant 0 : i32
    %dma_wait3A_365 = tpu.memref_slice %arg10[%dma_wait3A_361, %dma_wait3A_364] : memref<4x128xi32, #tpu.memory_space<vmem>> -> memref<1x128xi32, #tpu.memory_space<vmem>>
    %dma_wait3A_366 = tpu.memref_squeeze %dma_wait3A_365 : memref<1x128xi32, #tpu.memory_space<vmem>> -> memref<128xi32, #tpu.memory_space<vmem>>
    %dma_wait3A_367 = arith.constant 0 : i32
    %dma_wait3A_368 = tpu.memref_slice %arg7[%dma_wait3A_367] : memref<1000000xf32, #tpu.memory_space<hbm>> -> memref<1000000xf32, #tpu.memory_space<hbm>>
    tpu.wait_indirect_dma semaphore(%arg16 : memref<!tpu.dma_semaphore, #tpu.memory_space<semaphore_mem>>) src(%dma_wait3A_368 : memref<1000000xf32, #tpu.memory_space<hbm>>) dst(%dma_wait3A_363 : memref<128xf32, #tpu.memory_space<vmem>>)
    %dma_wait3A_369 = arith.constant 2 : i32
    %dma_wait3A_370 = arith.constant 256 : i32
    %dma_wait3A_371 = arith.constant 0 : i32
    %dma_wait3A_372 = tpu.memref_slice %arg11[%dma_wait3A_370, %dma_wait3A_371] : memref<512x32xf32, #tpu.memory_space<vmem>> -> memref<128x32xf32, #tpu.memory_space<vmem>>
    %dma_wait3A_373 = arith.constant 0 : i32
    %dma_wait3A_374 = tpu.memref_slice %arg9[%dma_wait3A_369, %dma_wait3A_373] : memref<4x128xi32, #tpu.memory_space<vmem>> -> memref<1x128xi32, #tpu.memory_space<vmem>>
    %dma_wait3A_375 = tpu.memref_squeeze %dma_wait3A_374 : memref<1x128xi32, #tpu.memory_space<vmem>> -> memref<128xi32, #tpu.memory_space<vmem>>
    %dma_wait3A_376 = arith.constant 0 : i32
    %dma_wait3A_377 = arith.constant 0 : i32
    %dma_wait3A_378 = tpu.memref_slice %arg4[%dma_wait3A_376, %dma_wait3A_377] : memref<1000000x32xf32, #tpu.memory_space<hbm>> -> memref<1000000x32xf32, #tpu.memory_space<hbm>>
    tpu.wait_indirect_dma semaphore(%arg16 : memref<!tpu.dma_semaphore, #tpu.memory_space<semaphore_mem>>) src(%dma_wait3A_378 : memref<1000000x32xf32, #tpu.memory_space<hbm>>) dst(%dma_wait3A_372 : memref<128x32xf32, #tpu.memory_space<vmem>>)
    %dma_wait3A_379 = arith.constant 2 : i32
    %dma_wait3A_380 = arith.constant 256 : i32
    %dma_wait3A_381 = arith.constant 0 : i32
    %dma_wait3A_382 = tpu.memref_slice %arg12[%dma_wait3A_380, %dma_wait3A_381] : memref<512x32xf32, #tpu.memory_space<vmem>> -> memref<128x32xf32, #tpu.memory_space<vmem>>
    %dma_wait3A_383 = arith.constant 0 : i32
    %dma_wait3A_384 = tpu.memref_slice %arg10[%dma_wait3A_379, %dma_wait3A_383] : memref<4x128xi32, #tpu.memory_space<vmem>> -> memref<1x128xi32, #tpu.memory_space<vmem>>
    %dma_wait3A_385 = tpu.memref_squeeze %dma_wait3A_384 : memref<1x128xi32, #tpu.memory_space<vmem>> -> memref<128xi32, #tpu.memory_space<vmem>>
    %dma_wait3A_386 = arith.constant 0 : i32
    %dma_wait3A_387 = arith.constant 0 : i32
    %dma_wait3A_388 = tpu.memref_slice %arg5[%dma_wait3A_386, %dma_wait3A_387] : memref<1000000x32xf32, #tpu.memory_space<hbm>> -> memref<1000000x32xf32, #tpu.memory_space<hbm>>
    tpu.wait_indirect_dma semaphore(%arg16 : memref<!tpu.dma_semaphore, #tpu.memory_space<semaphore_mem>>) src(%dma_wait3A_388 : memref<1000000x32xf32, #tpu.memory_space<hbm>>) dst(%dma_wait3A_382 : memref<128x32xf32, #tpu.memory_space<vmem>>)
    %dma_wait3A_389 = arith.constant 2 : i32
    %dma_wait3A_390 = arith.constant 256 : i32
    %dma_wait3A_391 = tpu.memref_slice %arg13[%dma_wait3A_390] : memref<512xf32, #tpu.memory_space<vmem>> -> memref<128xf32, #tpu.memory_space<vmem>>
    %dma_wait3A_392 = arith.constant 0 : i32
    %dma_wait3A_393 = tpu.memref_slice %arg9[%dma_wait3A_389, %dma_wait3A_392] : memref<4x128xi32, #tpu.memory_space<vmem>> -> memref<1x128xi32, #tpu.memory_space<vmem>>
    %dma_wait3A_394 = tpu.memref_squeeze %dma_wait3A_393 : memref<1x128xi32, #tpu.memory_space<vmem>> -> memref<128xi32, #tpu.memory_space<vmem>>
    %dma_wait3A_395 = arith.constant 0 : i32
    %dma_wait3A_396 = tpu.memref_slice %arg6[%dma_wait3A_395] : memref<1000000xf32, #tpu.memory_space<hbm>> -> memref<1000000xf32, #tpu.memory_space<hbm>>
    tpu.wait_indirect_dma semaphore(%arg16 : memref<!tpu.dma_semaphore, #tpu.memory_space<semaphore_mem>>) src(%dma_wait3A_396 : memref<1000000xf32, #tpu.memory_space<hbm>>) dst(%dma_wait3A_391 : memref<128xf32, #tpu.memory_space<vmem>>)
    %dma_wait3A_397 = arith.constant 2 : i32
    %dma_wait3A_398 = arith.constant 256 : i32
    %dma_wait3A_399 = tpu.memref_slice %arg14[%dma_wait3A_398] : memref<512xf32, #tpu.memory_space<vmem>> -> memref<128xf32, #tpu.memory_space<vmem>>
    %dma_wait3A_400 = arith.constant 0 : i32
    %dma_wait3A_401 = tpu.memref_slice %arg10[%dma_wait3A_397, %dma_wait3A_400] : memref<4x128xi32, #tpu.memory_space<vmem>> -> memref<1x128xi32, #tpu.memory_space<vmem>>
    %dma_wait3A_402 = tpu.memref_squeeze %dma_wait3A_401 : memref<1x128xi32, #tpu.memory_space<vmem>> -> memref<128xi32, #tpu.memory_space<vmem>>
    %dma_wait3A_403 = arith.constant 0 : i32
    %dma_wait3A_404 = tpu.memref_slice %arg7[%dma_wait3A_403] : memref<1000000xf32, #tpu.memory_space<hbm>> -> memref<1000000xf32, #tpu.memory_space<hbm>>
    tpu.wait_indirect_dma semaphore(%arg16 : memref<!tpu.dma_semaphore, #tpu.memory_space<semaphore_mem>>) src(%dma_wait3A_404 : memref<1000000xf32, #tpu.memory_space<hbm>>) dst(%dma_wait3A_399 : memref<128xf32, #tpu.memory_space<vmem>>)
    %dma_wait3A_405 = arith.constant 3 : i32
    %dma_wait3A_406 = arith.constant 384 : i32
    %dma_wait3A_407 = arith.constant 0 : i32
    %dma_wait3A_408 = tpu.memref_slice %arg11[%dma_wait3A_406, %dma_wait3A_407] : memref<512x32xf32, #tpu.memory_space<vmem>> -> memref<128x32xf32, #tpu.memory_space<vmem>>
    %dma_wait3A_409 = arith.constant 0 : i32
    %dma_wait3A_410 = tpu.memref_slice %arg9[%dma_wait3A_405, %dma_wait3A_409] : memref<4x128xi32, #tpu.memory_space<vmem>> -> memref<1x128xi32, #tpu.memory_space<vmem>>
    %dma_wait3A_411 = tpu.memref_squeeze %dma_wait3A_410 : memref<1x128xi32, #tpu.memory_space<vmem>> -> memref<128xi32, #tpu.memory_space<vmem>>
    %dma_wait3A_412 = arith.constant 0 : i32
    %dma_wait3A_413 = arith.constant 0 : i32
    %dma_wait3A_414 = tpu.memref_slice %arg4[%dma_wait3A_412, %dma_wait3A_413] : memref<1000000x32xf32, #tpu.memory_space<hbm>> -> memref<1000000x32xf32, #tpu.memory_space<hbm>>
    tpu.wait_indirect_dma semaphore(%arg16 : memref<!tpu.dma_semaphore, #tpu.memory_space<semaphore_mem>>) src(%dma_wait3A_414 : memref<1000000x32xf32, #tpu.memory_space<hbm>>) dst(%dma_wait3A_408 : memref<128x32xf32, #tpu.memory_space<vmem>>)
    %dma_wait3A_415 = arith.constant 3 : i32
    %dma_wait3A_416 = arith.constant 384 : i32
    %dma_wait3A_417 = arith.constant 0 : i32
    %dma_wait3A_418 = tpu.memref_slice %arg12[%dma_wait3A_416, %dma_wait3A_417] : memref<512x32xf32, #tpu.memory_space<vmem>> -> memref<128x32xf32, #tpu.memory_space<vmem>>
    %dma_wait3A_419 = arith.constant 0 : i32
    %dma_wait3A_420 = tpu.memref_slice %arg10[%dma_wait3A_415, %dma_wait3A_419] : memref<4x128xi32, #tpu.memory_space<vmem>> -> memref<1x128xi32, #tpu.memory_space<vmem>>
    %dma_wait3A_421 = tpu.memref_squeeze %dma_wait3A_420 : memref<1x128xi32, #tpu.memory_space<vmem>> -> memref<128xi32, #tpu.memory_space<vmem>>
    %dma_wait3A_422 = arith.constant 0 : i32
    %dma_wait3A_423 = arith.constant 0 : i32
    %dma_wait3A_424 = tpu.memref_slice %arg5[%dma_wait3A_422, %dma_wait3A_423] : memref<1000000x32xf32, #tpu.memory_space<hbm>> -> memref<1000000x32xf32, #tpu.memory_space<hbm>>
    tpu.wait_indirect_dma semaphore(%arg16 : memref<!tpu.dma_semaphore, #tpu.memory_space<semaphore_mem>>) src(%dma_wait3A_424 : memref<1000000x32xf32, #tpu.memory_space<hbm>>) dst(%dma_wait3A_418 : memref<128x32xf32, #tpu.memory_space<vmem>>)
    %dma_wait3A_425 = arith.constant 3 : i32
    %dma_wait3A_426 = arith.constant 384 : i32
    %dma_wait3A_427 = tpu.memref_slice %arg13[%dma_wait3A_426] : memref<512xf32, #tpu.memory_space<vmem>> -> memref<128xf32, #tpu.memory_space<vmem>>
    %dma_wait3A_428 = arith.constant 0 : i32
    %dma_wait3A_429 = tpu.memref_slice %arg9[%dma_wait3A_425, %dma_wait3A_428] : memref<4x128xi32, #tpu.memory_space<vmem>> -> memref<1x128xi32, #tpu.memory_space<vmem>>
    %dma_wait3A_430 = tpu.memref_squeeze %dma_wait3A_429 : memref<1x128xi32, #tpu.memory_space<vmem>> -> memref<128xi32, #tpu.memory_space<vmem>>
    %dma_wait3A_431 = arith.constant 0 : i32
    %dma_wait3A_432 = tpu.memref_slice %arg6[%dma_wait3A_431] : memref<1000000xf32, #tpu.memory_space<hbm>> -> memref<1000000xf32, #tpu.memory_space<hbm>>
    tpu.wait_indirect_dma semaphore(%arg16 : memref<!tpu.dma_semaphore, #tpu.memory_space<semaphore_mem>>) src(%dma_wait3A_432 : memref<1000000xf32, #tpu.memory_space<hbm>>) dst(%dma_wait3A_427 : memref<128xf32, #tpu.memory_space<vmem>>)
    %dma_wait3A_433 = arith.constant 3 : i32
    %dma_wait3A_434 = arith.constant 384 : i32
    %dma_wait3A_435 = tpu.memref_slice %arg14[%dma_wait3A_434] : memref<512xf32, #tpu.memory_space<vmem>> -> memref<128xf32, #tpu.memory_space<vmem>>
    %dma_wait3A_436 = arith.constant 0 : i32
    %dma_wait3A_437 = tpu.memref_slice %arg10[%dma_wait3A_433, %dma_wait3A_436] : memref<4x128xi32, #tpu.memory_space<vmem>> -> memref<1x128xi32, #tpu.memory_space<vmem>>
    %dma_wait3A_438 = tpu.memref_squeeze %dma_wait3A_437 : memref<1x128xi32, #tpu.memory_space<vmem>> -> memref<128xi32, #tpu.memory_space<vmem>>
    %dma_wait3A_439 = arith.constant 0 : i32
    %dma_wait3A_440 = tpu.memref_slice %arg7[%dma_wait3A_439] : memref<1000000xf32, #tpu.memory_space<hbm>> -> memref<1000000xf32, #tpu.memory_space<hbm>>
    tpu.wait_indirect_dma semaphore(%arg16 : memref<!tpu.dma_semaphore, #tpu.memory_space<semaphore_mem>>) src(%dma_wait3A_440 : memref<1000000xf32, #tpu.memory_space<hbm>>) dst(%dma_wait3A_435 : memref<128xf32, #tpu.memory_space<vmem>>)
    %iota3A = tpu.iota {dimensions = array<i32: 0>} : vector<16xi32>
    %scan3A = arith.constant 0 : i32
    %scan3A_441 = arith.constant 0 : i32
    %scan3A_442 = arith.constant 32 : i32
    %scan3A_443 = arith.addi %scan3A_441, %scan3A_442 : i32
    %scan3A_444 = arith.constant 1 : i32
    scf.for %scan3A_450 = %scan3A_441 to %scan3A_443 step %scan3A_444  : i32 {
      %mul3A_451 = arith.constant 16 : i32
      %mul3A_452 = arith.muli %scan3A_450, %mul3A_451 : i32
      %add3A_453 = vector.broadcast %mul3A_452 : i32 to vector<16xi32>
      %add3A_454 = arith.addi %iota3A, %add3A_453 : vector<16xi32>
      %mul3A_455 = arith.constant 16 : i32
      %mul3A_456 = arith.muli %scan3A_450, %mul3A_455 : i32
      %get3A = arith.index_cast %mul3A_456 : i32 to index
      %get3A_457 = tpu.vector_load %arg13[%get3A] {strides = array<i32>} : memref<512xf32, #tpu.memory_space<vmem>>, vector<16xf32>,
      %get3A_458 = arith.index_cast %mul3A_456 : i32 to index
      %get3A_459 = tpu.vector_load %arg14[%get3A_458] {strides = array<i32>} : memref<512xf32, #tpu.memory_space<vmem>>, vector<16xf32>,
      %add3A_460 = arith.addf %get3A_457, %get3A_459 : vector<16xf32>
      %broadcast_in_dim3A = arith.constant 0 : i32
      %broadcast_in_dim3A_461 = vector.broadcast %broadcast_in_dim3A : i32 to vector<16xi32>
      %gather3A = tpu.vector_load_idx %arg11[%add3A_454, %broadcast_in_dim3A_461] : memref<512x32xf32, #tpu.memory_space<vmem>>[vector<16xi32>, vector<16xi32>], vector<16xf32>,
      %gather3A_462 = tpu.vector_load_idx %arg12[%add3A_454, %broadcast_in_dim3A_461] : memref<512x32xf32, #tpu.memory_space<vmem>>[vector<16xi32>, vector<16xi32>], vector<16xf32>,
      %mul3A_463 = arith.mulf %gather3A, %gather3A_462 : vector<16xf32>
      %add3A_464 = arith.addf %add3A_460, %mul3A_463 : vector<16xf32>
      %broadcast_in_dim3A_465 = arith.constant 1 : i32
      %broadcast_in_dim3A_466 = vector.broadcast %broadcast_in_dim3A_465 : i32 to vector<16xi32>
      %gather3A_467 = tpu.vector_load_idx %arg11[%add3A_454, %broadcast_in_dim3A_466] : memref<512x32xf32, #tpu.memory_space<vmem>>[vector<16xi32>, vector<16xi32>], vector<16xf32>,
      %gather3A_468 = tpu.vector_load_idx %arg12[%add3A_454, %broadcast_in_dim3A_466] : memref<512x32xf32, #tpu.memory_space<vmem>>[vector<16xi32>, vector<16xi32>], vector<16xf32>,
      %mul3A_469 = arith.mulf %gather3A_467, %gather3A_468 : vector<16xf32>
      %add3A_470 = arith.addf %add3A_464, %mul3A_469 : vector<16xf32>
      %broadcast_in_dim3A_471 = arith.constant 2 : i32
      %broadcast_in_dim3A_472 = vector.broadcast %broadcast_in_dim3A_471 : i32 to vector<16xi32>
      %gather3A_473 = tpu.vector_load_idx %arg11[%add3A_454, %broadcast_in_dim3A_472] : memref<512x32xf32, #tpu.memory_space<vmem>>[vector<16xi32>, vector<16xi32>], vector<16xf32>,
      %gather3A_474 = tpu.vector_load_idx %arg12[%add3A_454, %broadcast_in_dim3A_472] : memref<512x32xf32, #tpu.memory_space<vmem>>[vector<16xi32>, vector<16xi32>], vector<16xf32>,
      %mul3A_475 = arith.mulf %gather3A_473, %gather3A_474 : vector<16xf32>
      %add3A_476 = arith.addf %add3A_470, %mul3A_475 : vector<16xf32>
      %broadcast_in_dim3A_477 = arith.constant 3 : i32
      %broadcast_in_dim3A_478 = vector.broadcast %broadcast_in_dim3A_477 : i32 to vector<16xi32>
      %gather3A_479 = tpu.vector_load_idx %arg11[%add3A_454, %broadcast_in_dim3A_478] : memref<512x32xf32, #tpu.memory_space<vmem>>[vector<16xi32>, vector<16xi32>], vector<16xf32>,
      %gather3A_480 = tpu.vector_load_idx %arg12[%add3A_454, %broadcast_in_dim3A_478] : memref<512x32xf32, #tpu.memory_space<vmem>>[vector<16xi32>, vector<16xi32>], vector<16xf32>,
      %mul3A_481 = arith.mulf %gather3A_479, %gather3A_480 : vector<16xf32>
      %add3A_482 = arith.addf %add3A_476, %mul3A_481 : vector<16xf32>
      %broadcast_in_dim3A_483 = arith.constant 4 : i32
      %broadcast_in_dim3A_484 = vector.broadcast %broadcast_in_dim3A_483 : i32 to vector<16xi32>
      %gather3A_485 = tpu.vector_load_idx %arg11[%add3A_454, %broadcast_in_dim3A_484] : memref<512x32xf32, #tpu.memory_space<vmem>>[vector<16xi32>, vector<16xi32>], vector<16xf32>,
      %gather3A_486 = tpu.vector_load_idx %arg12[%add3A_454, %broadcast_in_dim3A_484] : memref<512x32xf32, #tpu.memory_space<vmem>>[vector<16xi32>, vector<16xi32>], vector<16xf32>,
      %mul3A_487 = arith.mulf %gather3A_485, %gather3A_486 : vector<16xf32>
      %add3A_488 = arith.addf %add3A_482, %mul3A_487 : vector<16xf32>
      %broadcast_in_dim3A_489 = arith.constant 5 : i32
      %broadcast_in_dim3A_490 = vector.broadcast %broadcast_in_dim3A_489 : i32 to vector<16xi32>
      %gather3A_491 = tpu.vector_load_idx %arg11[%add3A_454, %broadcast_in_dim3A_490] : memref<512x32xf32, #tpu.memory_space<vmem>>[vector<16xi32>, vector<16xi32>], vector<16xf32>,
      %gather3A_492 = tpu.vector_load_idx %arg12[%add3A_454, %broadcast_in_dim3A_490] : memref<512x32xf32, #tpu.memory_space<vmem>>[vector<16xi32>, vector<16xi32>], vector<16xf32>,
      %mul3A_493 = arith.mulf %gather3A_491, %gather3A_492 : vector<16xf32>
      %add3A_494 = arith.addf %add3A_488, %mul3A_493 : vector<16xf32>
      %broadcast_in_dim3A_495 = arith.constant 6 : i32
      %broadcast_in_dim3A_496 = vector.broadcast %broadcast_in_dim3A_495 : i32 to vector<16xi32>
      %gather3A_497 = tpu.vector_load_idx %arg11[%add3A_454, %broadcast_in_dim3A_496] : memref<512x32xf32, #tpu.memory_space<vmem>>[vector<16xi32>, vector<16xi32>], vector<16xf32>,
      %gather3A_498 = tpu.vector_load_idx %arg12[%add3A_454, %broadcast_in_dim3A_496] : memref<512x32xf32, #tpu.memory_space<vmem>>[vector<16xi32>, vector<16xi32>], vector<16xf32>,
      %mul3A_499 = arith.mulf %gather3A_497, %gather3A_498 : vector<16xf32>
      %add3A_500 = arith.addf %add3A_494, %mul3A_499 : vector<16xf32>
      %broadcast_in_dim3A_501 = arith.constant 7 : i32
      %broadcast_in_dim3A_502 = vector.broadcast %broadcast_in_dim3A_501 : i32 to vector<16xi32>
      %gather3A_503 = tpu.vector_load_idx %arg11[%add3A_454, %broadcast_in_dim3A_502] : memref<512x32xf32, #tpu.memory_space<vmem>>[vector<16xi32>, vector<16xi32>], vector<16xf32>,
      %gather3A_504 = tpu.vector_load_idx %arg12[%add3A_454, %broadcast_in_dim3A_502] : memref<512x32xf32, #tpu.memory_space<vmem>>[vector<16xi32>, vector<16xi32>], vector<16xf32>,
      %mul3A_505 = arith.mulf %gather3A_503, %gather3A_504 : vector<16xf32>
      %add3A_506 = arith.addf %add3A_500, %mul3A_505 : vector<16xf32>
      %broadcast_in_dim3A_507 = arith.constant 8 : i32
      %broadcast_in_dim3A_508 = vector.broadcast %broadcast_in_dim3A_507 : i32 to vector<16xi32>
      %gather3A_509 = tpu.vector_load_idx %arg11[%add3A_454, %broadcast_in_dim3A_508] : memref<512x32xf32, #tpu.memory_space<vmem>>[vector<16xi32>, vector<16xi32>], vector<16xf32>,
      %gather3A_510 = tpu.vector_load_idx %arg12[%add3A_454, %broadcast_in_dim3A_508] : memref<512x32xf32, #tpu.memory_space<vmem>>[vector<16xi32>, vector<16xi32>], vector<16xf32>,
      %mul3A_511 = arith.mulf %gather3A_509, %gather3A_510 : vector<16xf32>
      %add3A_512 = arith.addf %add3A_506, %mul3A_511 : vector<16xf32>
      %broadcast_in_dim3A_513 = arith.constant 9 : i32
      %broadcast_in_dim3A_514 = vector.broadcast %broadcast_in_dim3A_513 : i32 to vector<16xi32>
      %gather3A_515 = tpu.vector_load_idx %arg11[%add3A_454, %broadcast_in_dim3A_514] : memref<512x32xf32, #tpu.memory_space<vmem>>[vector<16xi32>, vector<16xi32>], vector<16xf32>,
      %gather3A_516 = tpu.vector_load_idx %arg12[%add3A_454, %broadcast_in_dim3A_514] : memref<512x32xf32, #tpu.memory_space<vmem>>[vector<16xi32>, vector<16xi32>], vector<16xf32>,
      %mul3A_517 = arith.mulf %gather3A_515, %gather3A_516 : vector<16xf32>
      %add3A_518 = arith.addf %add3A_512, %mul3A_517 : vector<16xf32>
      %broadcast_in_dim3A_519 = arith.constant 10 : i32
      %broadcast_in_dim3A_520 = vector.broadcast %broadcast_in_dim3A_519 : i32 to vector<16xi32>
      %gather3A_521 = tpu.vector_load_idx %arg11[%add3A_454, %broadcast_in_dim3A_520] : memref<512x32xf32, #tpu.memory_space<vmem>>[vector<16xi32>, vector<16xi32>], vector<16xf32>,
      %gather3A_522 = tpu.vector_load_idx %arg12[%add3A_454, %broadcast_in_dim3A_520] : memref<512x32xf32, #tpu.memory_space<vmem>>[vector<16xi32>, vector<16xi32>], vector<16xf32>,
      %mul3A_523 = arith.mulf %gather3A_521, %gather3A_522 : vector<16xf32>
      %add3A_524 = arith.addf %add3A_518, %mul3A_523 : vector<16xf32>
      %broadcast_in_dim3A_525 = arith.constant 11 : i32
      %broadcast_in_dim3A_526 = vector.broadcast %broadcast_in_dim3A_525 : i32 to vector<16xi32>
      %gather3A_527 = tpu.vector_load_idx %arg11[%add3A_454, %broadcast_in_dim3A_526] : memref<512x32xf32, #tpu.memory_space<vmem>>[vector<16xi32>, vector<16xi32>], vector<16xf32>,
      %gather3A_528 = tpu.vector_load_idx %arg12[%add3A_454, %broadcast_in_dim3A_526] : memref<512x32xf32, #tpu.memory_space<vmem>>[vector<16xi32>, vector<16xi32>], vector<16xf32>,
      %mul3A_529 = arith.mulf %gather3A_527, %gather3A_528 : vector<16xf32>
      %add3A_530 = arith.addf %add3A_524, %mul3A_529 : vector<16xf32>
      %broadcast_in_dim3A_531 = arith.constant 12 : i32
      %broadcast_in_dim3A_532 = vector.broadcast %broadcast_in_dim3A_531 : i32 to vector<16xi32>
      %gather3A_533 = tpu.vector_load_idx %arg11[%add3A_454, %broadcast_in_dim3A_532] : memref<512x32xf32, #tpu.memory_space<vmem>>[vector<16xi32>, vector<16xi32>], vector<16xf32>,
      %gather3A_534 = tpu.vector_load_idx %arg12[%add3A_454, %broadcast_in_dim3A_532] : memref<512x32xf32, #tpu.memory_space<vmem>>[vector<16xi32>, vector<16xi32>], vector<16xf32>,
      %mul3A_535 = arith.mulf %gather3A_533, %gather3A_534 : vector<16xf32>
      %add3A_536 = arith.addf %add3A_530, %mul3A_535 : vector<16xf32>
      %broadcast_in_dim3A_537 = arith.constant 13 : i32
      %broadcast_in_dim3A_538 = vector.broadcast %broadcast_in_dim3A_537 : i32 to vector<16xi32>
      %gather3A_539 = tpu.vector_load_idx %arg11[%add3A_454, %broadcast_in_dim3A_538] : memref<512x32xf32, #tpu.memory_space<vmem>>[vector<16xi32>, vector<16xi32>], vector<16xf32>,
      %gather3A_540 = tpu.vector_load_idx %arg12[%add3A_454, %broadcast_in_dim3A_538] : memref<512x32xf32, #tpu.memory_space<vmem>>[vector<16xi32>, vector<16xi32>], vector<16xf32>,
      %mul3A_541 = arith.mulf %gather3A_539, %gather3A_540 : vector<16xf32>
      %add3A_542 = arith.addf %add3A_536, %mul3A_541 : vector<16xf32>
      %broadcast_in_dim3A_543 = arith.constant 14 : i32
      %broadcast_in_dim3A_544 = vector.broadcast %broadcast_in_dim3A_543 : i32 to vector<16xi32>
      %gather3A_545 = tpu.vector_load_idx %arg11[%add3A_454, %broadcast_in_dim3A_544] : memref<512x32xf32, #tpu.memory_space<vmem>>[vector<16xi32>, vector<16xi32>], vector<16xf32>,
      %gather3A_546 = tpu.vector_load_idx %arg12[%add3A_454, %broadcast_in_dim3A_544] : memref<512x32xf32, #tpu.memory_space<vmem>>[vector<16xi32>, vector<16xi32>], vector<16xf32>,
      %mul3A_547 = arith.mulf %gather3A_545, %gather3A_546 : vector<16xf32>
      %add3A_548 = arith.addf %add3A_542, %mul3A_547 : vector<16xf32>
      %broadcast_in_dim3A_549 = arith.constant 15 : i32
      %broadcast_in_dim3A_550 = vector.broadcast %broadcast_in_dim3A_549 : i32 to vector<16xi32>
      %gather3A_551 = tpu.vector_load_idx %arg11[%add3A_454, %broadcast_in_dim3A_550] : memref<512x32xf32, #tpu.memory_space<vmem>>[vector<16xi32>, vector<16xi32>], vector<16xf32>,
      %gather3A_552 = tpu.vector_load_idx %arg12[%add3A_454, %broadcast_in_dim3A_550] : memref<512x32xf32, #tpu.memory_space<vmem>>[vector<16xi32>, vector<16xi32>], vector<16xf32>,
      %mul3A_553 = arith.mulf %gather3A_551, %gather3A_552 : vector<16xf32>
      %add3A_554 = arith.addf %add3A_548, %mul3A_553 : vector<16xf32>
      %broadcast_in_dim3A_555 = arith.constant 16 : i32
      %broadcast_in_dim3A_556 = vector.broadcast %broadcast_in_dim3A_555 : i32 to vector<16xi32>
      %gather3A_557 = tpu.vector_load_idx %arg11[%add3A_454, %broadcast_in_dim3A_556] : memref<512x32xf32, #tpu.memory_space<vmem>>[vector<16xi32>, vector<16xi32>], vector<16xf32>,
      %gather3A_558 = tpu.vector_load_idx %arg12[%add3A_454, %broadcast_in_dim3A_556] : memref<512x32xf32, #tpu.memory_space<vmem>>[vector<16xi32>, vector<16xi32>], vector<16xf32>,
      %mul3A_559 = arith.mulf %gather3A_557, %gather3A_558 : vector<16xf32>
      %add3A_560 = arith.addf %add3A_554, %mul3A_559 : vector<16xf32>
      %broadcast_in_dim3A_561 = arith.constant 17 : i32
      %broadcast_in_dim3A_562 = vector.broadcast %broadcast_in_dim3A_561 : i32 to vector<16xi32>
      %gather3A_563 = tpu.vector_load_idx %arg11[%add3A_454, %broadcast_in_dim3A_562] : memref<512x32xf32, #tpu.memory_space<vmem>>[vector<16xi32>, vector<16xi32>], vector<16xf32>,
      %gather3A_564 = tpu.vector_load_idx %arg12[%add3A_454, %broadcast_in_dim3A_562] : memref<512x32xf32, #tpu.memory_space<vmem>>[vector<16xi32>, vector<16xi32>], vector<16xf32>,
      %mul3A_565 = arith.mulf %gather3A_563, %gather3A_564 : vector<16xf32>
      %add3A_566 = arith.addf %add3A_560, %mul3A_565 : vector<16xf32>
      %broadcast_in_dim3A_567 = arith.constant 18 : i32
      %broadcast_in_dim3A_568 = vector.broadcast %broadcast_in_dim3A_567 : i32 to vector<16xi32>
      %gather3A_569 = tpu.vector_load_idx %arg11[%add3A_454, %broadcast_in_dim3A_568] : memref<512x32xf32, #tpu.memory_space<vmem>>[vector<16xi32>, vector<16xi32>], vector<16xf32>,
      %gather3A_570 = tpu.vector_load_idx %arg12[%add3A_454, %broadcast_in_dim3A_568] : memref<512x32xf32, #tpu.memory_space<vmem>>[vector<16xi32>, vector<16xi32>], vector<16xf32>,
      %mul3A_571 = arith.mulf %gather3A_569, %gather3A_570 : vector<16xf32>
      %add3A_572 = arith.addf %add3A_566, %mul3A_571 : vector<16xf32>
      %broadcast_in_dim3A_573 = arith.constant 19 : i32
      %broadcast_in_dim3A_574 = vector.broadcast %broadcast_in_dim3A_573 : i32 to vector<16xi32>
      %gather3A_575 = tpu.vector_load_idx %arg11[%add3A_454, %broadcast_in_dim3A_574] : memref<512x32xf32, #tpu.memory_space<vmem>>[vector<16xi32>, vector<16xi32>], vector<16xf32>,
      %gather3A_576 = tpu.vector_load_idx %arg12[%add3A_454, %broadcast_in_dim3A_574] : memref<512x32xf32, #tpu.memory_space<vmem>>[vector<16xi32>, vector<16xi32>], vector<16xf32>,
      %mul3A_577 = arith.mulf %gather3A_575, %gather3A_576 : vector<16xf32>
      %add3A_578 = arith.addf %add3A_572, %mul3A_577 : vector<16xf32>
      %broadcast_in_dim3A_579 = arith.constant 20 : i32
      %broadcast_in_dim3A_580 = vector.broadcast %broadcast_in_dim3A_579 : i32 to vector<16xi32>
      %gather3A_581 = tpu.vector_load_idx %arg11[%add3A_454, %broadcast_in_dim3A_580] : memref<512x32xf32, #tpu.memory_space<vmem>>[vector<16xi32>, vector<16xi32>], vector<16xf32>,
      %gather3A_582 = tpu.vector_load_idx %arg12[%add3A_454, %broadcast_in_dim3A_580] : memref<512x32xf32, #tpu.memory_space<vmem>>[vector<16xi32>, vector<16xi32>], vector<16xf32>,
      %mul3A_583 = arith.mulf %gather3A_581, %gather3A_582 : vector<16xf32>
      %add3A_584 = arith.addf %add3A_578, %mul3A_583 : vector<16xf32>
      %broadcast_in_dim3A_585 = arith.constant 21 : i32
      %broadcast_in_dim3A_586 = vector.broadcast %broadcast_in_dim3A_585 : i32 to vector<16xi32>
      %gather3A_587 = tpu.vector_load_idx %arg11[%add3A_454, %broadcast_in_dim3A_586] : memref<512x32xf32, #tpu.memory_space<vmem>>[vector<16xi32>, vector<16xi32>], vector<16xf32>,
      %gather3A_588 = tpu.vector_load_idx %arg12[%add3A_454, %broadcast_in_dim3A_586] : memref<512x32xf32, #tpu.memory_space<vmem>>[vector<16xi32>, vector<16xi32>], vector<16xf32>,
      %mul3A_589 = arith.mulf %gather3A_587, %gather3A_588 : vector<16xf32>
      %add3A_590 = arith.addf %add3A_584, %mul3A_589 : vector<16xf32>
      %broadcast_in_dim3A_591 = arith.constant 22 : i32
      %broadcast_in_dim3A_592 = vector.broadcast %broadcast_in_dim3A_591 : i32 to vector<16xi32>
      %gather3A_593 = tpu.vector_load_idx %arg11[%add3A_454, %broadcast_in_dim3A_592] : memref<512x32xf32, #tpu.memory_space<vmem>>[vector<16xi32>, vector<16xi32>], vector<16xf32>,
      %gather3A_594 = tpu.vector_load_idx %arg12[%add3A_454, %broadcast_in_dim3A_592] : memref<512x32xf32, #tpu.memory_space<vmem>>[vector<16xi32>, vector<16xi32>], vector<16xf32>,
      %mul3A_595 = arith.mulf %gather3A_593, %gather3A_594 : vector<16xf32>
      %add3A_596 = arith.addf %add3A_590, %mul3A_595 : vector<16xf32>
      %broadcast_in_dim3A_597 = arith.constant 23 : i32
      %broadcast_in_dim3A_598 = vector.broadcast %broadcast_in_dim3A_597 : i32 to vector<16xi32>
      %gather3A_599 = tpu.vector_load_idx %arg11[%add3A_454, %broadcast_in_dim3A_598] : memref<512x32xf32, #tpu.memory_space<vmem>>[vector<16xi32>, vector<16xi32>], vector<16xf32>,
      %gather3A_600 = tpu.vector_load_idx %arg12[%add3A_454, %broadcast_in_dim3A_598] : memref<512x32xf32, #tpu.memory_space<vmem>>[vector<16xi32>, vector<16xi32>], vector<16xf32>,
      %mul3A_601 = arith.mulf %gather3A_599, %gather3A_600 : vector<16xf32>
      %add3A_602 = arith.addf %add3A_596, %mul3A_601 : vector<16xf32>
      %broadcast_in_dim3A_603 = arith.constant 24 : i32
      %broadcast_in_dim3A_604 = vector.broadcast %broadcast_in_dim3A_603 : i32 to vector<16xi32>
      %gather3A_605 = tpu.vector_load_idx %arg11[%add3A_454, %broadcast_in_dim3A_604] : memref<512x32xf32, #tpu.memory_space<vmem>>[vector<16xi32>, vector<16xi32>], vector<16xf32>,
      %gather3A_606 = tpu.vector_load_idx %arg12[%add3A_454, %broadcast_in_dim3A_604] : memref<512x32xf32, #tpu.memory_space<vmem>>[vector<16xi32>, vector<16xi32>], vector<16xf32>,
      %mul3A_607 = arith.mulf %gather3A_605, %gather3A_606 : vector<16xf32>
      %add3A_608 = arith.addf %add3A_602, %mul3A_607 : vector<16xf32>
      %broadcast_in_dim3A_609 = arith.constant 25 : i32
      %broadcast_in_dim3A_610 = vector.broadcast %broadcast_in_dim3A_609 : i32 to vector<16xi32>
      %gather3A_611 = tpu.vector_load_idx %arg11[%add3A_454, %broadcast_in_dim3A_610] : memref<512x32xf32, #tpu.memory_space<vmem>>[vector<16xi32>, vector<16xi32>], vector<16xf32>,
      %gather3A_612 = tpu.vector_load_idx %arg12[%add3A_454, %broadcast_in_dim3A_610] : memref<512x32xf32, #tpu.memory_space<vmem>>[vector<16xi32>, vector<16xi32>], vector<16xf32>,
      %mul3A_613 = arith.mulf %gather3A_611, %gather3A_612 : vector<16xf32>
      %add3A_614 = arith.addf %add3A_608, %mul3A_613 : vector<16xf32>
      %broadcast_in_dim3A_615 = arith.constant 26 : i32
      %broadcast_in_dim3A_616 = vector.broadcast %broadcast_in_dim3A_615 : i32 to vector<16xi32>
      %gather3A_617 = tpu.vector_load_idx %arg11[%add3A_454, %broadcast_in_dim3A_616] : memref<512x32xf32, #tpu.memory_space<vmem>>[vector<16xi32>, vector<16xi32>], vector<16xf32>,
      %gather3A_618 = tpu.vector_load_idx %arg12[%add3A_454, %broadcast_in_dim3A_616] : memref<512x32xf32, #tpu.memory_space<vmem>>[vector<16xi32>, vector<16xi32>], vector<16xf32>,
      %mul3A_619 = arith.mulf %gather3A_617, %gather3A_618 : vector<16xf32>
      %add3A_620 = arith.addf %add3A_614, %mul3A_619 : vector<16xf32>
      %broadcast_in_dim3A_621 = arith.constant 27 : i32
      %broadcast_in_dim3A_622 = vector.broadcast %broadcast_in_dim3A_621 : i32 to vector<16xi32>
      %gather3A_623 = tpu.vector_load_idx %arg11[%add3A_454, %broadcast_in_dim3A_622] : memref<512x32xf32, #tpu.memory_space<vmem>>[vector<16xi32>, vector<16xi32>], vector<16xf32>,
      %gather3A_624 = tpu.vector_load_idx %arg12[%add3A_454, %broadcast_in_dim3A_622] : memref<512x32xf32, #tpu.memory_space<vmem>>[vector<16xi32>, vector<16xi32>], vector<16xf32>,
      %mul3A_625 = arith.mulf %gather3A_623, %gather3A_624 : vector<16xf32>
      %add3A_626 = arith.addf %add3A_620, %mul3A_625 : vector<16xf32>
      %broadcast_in_dim3A_627 = arith.constant 28 : i32
      %broadcast_in_dim3A_628 = vector.broadcast %broadcast_in_dim3A_627 : i32 to vector<16xi32>
      %gather3A_629 = tpu.vector_load_idx %arg11[%add3A_454, %broadcast_in_dim3A_628] : memref<512x32xf32, #tpu.memory_space<vmem>>[vector<16xi32>, vector<16xi32>], vector<16xf32>,
      %gather3A_630 = tpu.vector_load_idx %arg12[%add3A_454, %broadcast_in_dim3A_628] : memref<512x32xf32, #tpu.memory_space<vmem>>[vector<16xi32>, vector<16xi32>], vector<16xf32>,
      %mul3A_631 = arith.mulf %gather3A_629, %gather3A_630 : vector<16xf32>
      %add3A_632 = arith.addf %add3A_626, %mul3A_631 : vector<16xf32>
      %broadcast_in_dim3A_633 = arith.constant 29 : i32
      %broadcast_in_dim3A_634 = vector.broadcast %broadcast_in_dim3A_633 : i32 to vector<16xi32>
      %gather3A_635 = tpu.vector_load_idx %arg11[%add3A_454, %broadcast_in_dim3A_634] : memref<512x32xf32, #tpu.memory_space<vmem>>[vector<16xi32>, vector<16xi32>], vector<16xf32>,
      %gather3A_636 = tpu.vector_load_idx %arg12[%add3A_454, %broadcast_in_dim3A_634] : memref<512x32xf32, #tpu.memory_space<vmem>>[vector<16xi32>, vector<16xi32>], vector<16xf32>,
      %mul3A_637 = arith.mulf %gather3A_635, %gather3A_636 : vector<16xf32>
      %add3A_638 = arith.addf %add3A_632, %mul3A_637 : vector<16xf32>
      %broadcast_in_dim3A_639 = arith.constant 30 : i32
      %broadcast_in_dim3A_640 = vector.broadcast %broadcast_in_dim3A_639 : i32 to vector<16xi32>
      %gather3A_641 = tpu.vector_load_idx %arg11[%add3A_454, %broadcast_in_dim3A_640] : memref<512x32xf32, #tpu.memory_space<vmem>>[vector<16xi32>, vector<16xi32>], vector<16xf32>,
      %gather3A_642 = tpu.vector_load_idx %arg12[%add3A_454, %broadcast_in_dim3A_640] : memref<512x32xf32, #tpu.memory_space<vmem>>[vector<16xi32>, vector<16xi32>], vector<16xf32>,
      %mul3A_643 = arith.mulf %gather3A_641, %gather3A_642 : vector<16xf32>
      %add3A_644 = arith.addf %add3A_638, %mul3A_643 : vector<16xf32>
      %broadcast_in_dim3A_645 = arith.constant 31 : i32
      %broadcast_in_dim3A_646 = vector.broadcast %broadcast_in_dim3A_645 : i32 to vector<16xi32>
      %gather3A_647 = tpu.vector_load_idx %arg11[%add3A_454, %broadcast_in_dim3A_646] : memref<512x32xf32, #tpu.memory_space<vmem>>[vector<16xi32>, vector<16xi32>], vector<16xf32>,
      %gather3A_648 = tpu.vector_load_idx %arg12[%add3A_454, %broadcast_in_dim3A_646] : memref<512x32xf32, #tpu.memory_space<vmem>>[vector<16xi32>, vector<16xi32>], vector<16xf32>,
      %mul3A_649 = arith.mulf %gather3A_647, %gather3A_648 : vector<16xf32>
      %add3A_650 = arith.addf %add3A_644, %mul3A_649 : vector<16xf32>
      %mul3A_651 = arith.constant 16 : i32
      %mul3A_652 = arith.muli %scan3A_450, %mul3A_651 : i32
      %swap3A = arith.index_cast %mul3A_652 : i32 to index
      %swap3A_653 = tpu.vector_load %arg15[%swap3A] {strides = array<i32>} : memref<512xf32, #tpu.memory_space<vmem>>, vector<16xf32>,
      tpu.vector_store %arg15[%swap3A], %add3A_650 {strides = array<i32>} : memref<512xf32, #tpu.memory_space<vmem>>, vector<16xf32>,
    }
    %scan3A_445 = arith.constant 32 : i32
    %dma_start3A_446 = tpu.memref_slice %arg8[%mul3A_2] : memref<16384xf32, #tpu.memory_space<hbm>> -> memref<512xf32, #tpu.memory_space<hbm>>
    %dma_start3A_447 = tpu.memref_slice %arg8[%mul3A_2] : memref<16384xf32, #tpu.memory_space<hbm>> -> memref<512xf32, #tpu.memory_space<hbm>>
    tpu.enqueue_dma source(%arg15 : memref<512xf32, #tpu.memory_space<vmem>>) target(%dma_start3A_447 : memref<512xf32, #tpu.memory_space<hbm>>) target_semaphore(%arg16 : memref<!tpu.dma_semaphore, #tpu.memory_space<semaphore_mem>>)
    %dma_wait3A_448 = tpu.memref_slice %arg8[%mul3A_2] : memref<16384xf32, #tpu.memory_space<hbm>> -> memref<512xf32, #tpu.memory_space<hbm>>
    %dma_wait3A_449 = tpu.memref_slice %arg8[%mul3A_2] : memref<16384xf32, #tpu.memory_space<hbm>> -> memref<512xf32, #tpu.memory_space<hbm>>
    tpu.wait_dma2 semaphore(%arg16 : memref<!tpu.dma_semaphore, #tpu.memory_space<semaphore_mem>>) src(%arg15 : memref<512xf32, #tpu.memory_space<vmem>>) dst(%dma_wait3A_449 : memref<512xf32, #tpu.memory_space<hbm>>)
    return
  }
}

</mosaic_0001>

<sc_bundles>
// kernel: _mf_sc.3.cloned.1.call-start
scs
__scs_entry_jumppad:
0x0: {  	(pc) =	sbr.rel $0x88, $3  }
0x1: {  	(tag) =	ssettag $0x0;
	lr =	simm.s32 $0x1  }
0x2: {  	[smem:$0x3F9B] =	sst lr;
	_ =	strace $0xD0000000  }
0x3: {  	_ = 	snop  }
0x4: {  	_ = 	snop  }
0x5: {  	_ = 	snop  }
0x6: {  	_ = 	snop  }
0x7: {  	_ = 	snop  }
__scs_overlays_trampoline_lowered:
0x8: {  	[smem:$0x3FAA] =	sst s0  }
0x9: {  	[smem:$0x3FAB] =	sst s1  }
0xa: {  	[smem:$0x3FAC] =	sst s2  }
0xb: {  	[smem:$0x3FAD] =	sst s3  }
0xc: {  	[smem:$0x3FAE] =	sst s4  }
0xd: {  	[smem:$0x3FAF] =	sst s5  }
0xe: {  	[smem:$0x3FB0] =	sst s6  }
0xf: {  	[smem:$0x3FB1] =	sst s7  }
0x10: {  	[smem:$0x3FB2] =	sst s8  }
0x11: {  	[smem:$0x3FB3] =	sst s9;
	s0 =	simm.s32 @!p0 $0x0  }
0x12: {  	s1 =	sld [smem:$0x3F99];
	s0 =	simm.s32 @p0 $0x1  }
0x13: {  	[smem:$0x3FB4] =	sst s0;
	s0 =	simm.s32 @!p1 $0x0  }
0x14: {  	s2 =	sld [smem:$0x3F98];
	s0 =	simm.s32 @p1 $0x1  }
0x15: {  	[smem:$0x3FB5] =	sst s0;
	s0 =	simm.s32 @!p2 $0x0  }
0x16: {  	s3 =	sld [smem:$0x3FDB];
	s0 =	simm.s32 @p2 $0x1  }
0x17: {  	s4 =	simm.s32 $0x1BF5;
	[smem:$0x3FB7] =	sst s0  }
0x18: {  	s0 =	sld [smem:$0x3F9A];
	_ =	swait.ge [sflag:s4], $0x0  }
0x19: {  	s7 =	sld [smem:$0x3F9B]  }
0x1a: {  	s8 =	sadd.s32 $0xFFFFE003, lr  }
0x1b: {  	s9 =	sadd.s32 $0xFFFFFEF7, lr;
	s5 =	simm.s32 $0xFFFFFFFF;
	p2 =	slt.u32 s8, $0xFFFFF086  }
0x1c: {  	p1 =	slt.u32 s9, $0xF7A;
	s5 =	simm.s32 @!p2 $0x0  }
0x1d: {  	s5 =	simm.s32 @p1 $0x1;
	p0 =	seq.s32 s7, s2  }
0x1e: {  	s7 =	smul.u32 @!p0 $0xF7A, s2;
	p2 =	seq.s32 @!p0 s5, $0x0  }
0x1f: {  	s9 =	smul.u32 $0xF7A, s1;
	s8 =	simm.s32 @!p0 $0x1BF5;
	p2 =	por !p2, p0  }
0x20: {  	[sflag:s8] =	ssyncset.s32 @!p0 $0xFFFFF086;
	s6 =	sadd.s32 @!p0 s3, s7;
	s7 =	simm.s32 @!p0 $0x108  }
0x21: {  	s3 =	sadd.s32 s3, s9;
	s6 =	sadd.s32 @!p0 $0x88, s6;
	s7 =	simm.s32 @p2 $0x1082  }
0x22: {  	[simem:s7], [sflag:s8] =	dma.local @!p0 [hbm:s6], $0xF7A  }
0x23: {  	s9 =	sor.u32 $0xD0000000, s2;
	s6 =	simm.s32 $0x108;
	_ =	swait.ge @!p0 [sflag:s8], $0x0  }
0x24: {  	s3 =	sadd.s32 $0x88, s3;
	s6 =	simm.s32 @!p1 $0x1082;
	[sflag:s4] =	ssyncset.s32 $0xFFFFF086  }
0x25: {  	[simem:s6], [sflag:s4] =	dma.local [hbm:s3], $0xF7A  }
0x26: {  	[smem:$0x3F9B] =	sst s1;
	(tag) =	ssettag s2;
	_ =	strace s9  }
0x27: {  	s1 =	sld [smem:$0x3FAB]  }
0x28: {  	s2 =	sld [smem:$0x3FAC]  }
0x29: {  	s4 =	sld [smem:$0x3FAE]  }
0x2a: {  	p0 =	seq.s32 s5, $0x0;
	s5 =	sld [smem:$0x3FAF]  }
0x2b: {  	s6 =	sld [smem:$0x3FB0]  }
0x2c: {  	s7 =	sld [smem:$0x3FB1]  }
0x2d: {  	s3 =	simm.s32 $0x108;
	s8 =	sld [smem:$0x3FB2]  }
0x2e: {  	s3 =	simm.s32 @!p0 $0x1082;
	s9 =	sld [smem:$0x3FB3]  }
0x2f: {  	lr =	sadd.s32 s0, s3;
	s0 =	sld [smem:$0x3FAA]  }
0x30: {  	s3 =	sld [smem:$0x3FAD]  }
0x31: {  	[smem:$0x3FB6] =	sst s10  }
0x32: {  	s10 =	sld [smem:$0x3FB4];
	_ =	sdelay $0x3  }
0x33: {  	p0 =	seq.s32 s10, $0x1;
	s10 =	sld [smem:$0x3FB6];
	_ =	sdelay $0x3  }
0x34: {  	[smem:$0x3FB6] =	sst s10  }
0x35: {  	s10 =	sld [smem:$0x3FB5];
	_ =	sdelay $0x3  }
0x36: {  	p1 =	seq.s32 s10, $0x1;
	s10 =	sld [smem:$0x3FB6];
	_ =	sdelay $0x3  }
0x37: {  	[smem:$0x3FB6] =	sst s10  }
0x38: {  	s10 =	sld [smem:$0x3FB7]  }
0x39: {  	_ = 	snop;
	(pc) =	sbr.ind lr, $3  }
0x3a: {  	_ = 	snop  }
0x3b: {  	_ = 	snop  }
0x3c: {  	p2 =	seq.s32 s10, $0x1;
	s10 =	sld [smem:$0x3FB6]  }
0x3d: {  	_ =	shalt  }
0x3e: {  	_ =	shalt  }
0x3f: {  	_ =	shalt  }
0x40: {  	_ =	shalt  }
0x41: {  	_ =	shalt  }
0x42: {  	_ =	shalt  }
0x43: {  	_ =	shalt  }
0x44: {  	_ =	shalt  }
0x45: {  	_ =	shalt  }
0x46: {  	_ =	shalt  }
0x47: {  	_ =	shalt  }
0x48: {  	_ =	shalt  }
0x49: {  	_ =	shalt  }
0x4a: {  	_ =	shalt  }
0x4b: {  	_ =	shalt  }
0x4c: {  	_ =	shalt  }
0x4d: {  	_ =	shalt  }
0x4e: {  	_ =	shalt  }
0x4f: {  	_ =	shalt  }
0x50: {  	_ =	shalt  }
0x51: {  	_ =	shalt  }
0x52: {  	_ =	shalt  }
0x53: {  	_ =	shalt  }
0x54: {  	_ =	shalt  }
0x55: {  	_ =	shalt  }
0x56: {  	_ =	shalt  }
0x57: {  	_ =	shalt  }
0x58: {  	_ =	shalt  }
0x59: {  	_ =	shalt  }
0x5a: {  	_ =	shalt  }
0x5b: {  	_ =	shalt  }
0x5c: {  	_ =	shalt  }
0x5d: {  	_ =	shalt  }
0x5e: {  	_ =	shalt  }
0x5f: {  	_ =	shalt  }
0x60: {  	_ =	shalt  }
0x61: {  	_ =	shalt  }
0x62: {  	_ =	shalt  }
0x63: {  	_ =	shalt  }
0x64: {  	_ =	shalt  }
0x65: {  	_ =	shalt  }
0x66: {  	_ =	shalt  }
0x67: {  	_ =	shalt  }
0x68: {  	_ =	shalt  }
0x69: {  	_ =	shalt  }
0x6a: {  	_ =	shalt  }
0x6b: {  	_ =	shalt  }
0x6c: {  	_ =	shalt  }
0x6d: {  	_ =	shalt  }
0x6e: {  	_ =	shalt  }
0x6f: {  	_ =	shalt  }
0x70: {  	_ =	shalt  }
0x71: {  	_ =	shalt  }
0x72: {  	_ =	shalt  }
0x73: {  	_ =	shalt  }
0x74: {  	_ =	shalt  }
0x75: {  	_ =	shalt  }
0x76: {  	_ =	shalt  }
0x77: {  	_ =	shalt  }
0x78: {  	_ =	shalt  }
0x79: {  	_ =	shalt  }
0x7a: {  	_ =	shalt  }
0x7b: {  	_ =	shalt  }
0x7c: {  	_ =	shalt  }
0x7d: {  	_ =	shalt  }
0x7e: {  	_ =	shalt  }
0x7f: {  	_ =	shalt  }
0x80: {  	_ =	shalt  }
0x81: {  	_ =	shalt  }
0x82: {  	_ =	shalt  }
0x83: {  	_ =	shalt  }
0x84: {  	_ =	shalt  }
0x85: {  	_ =	shalt  }
0x86: {  	_ =	shalt  }
0x87: {  	_ =	shalt  }
.Lfunc_end0:
.L_simem_size_0:
called_computation_lowered:
.L_overlay_start_0:
0x88: {  	s2 =	sld [smem:$0x3FD9]  }
0x89: {  	s3 =	sld [smem:$0x3FFE];
	_ =	sdelay $0x1  }
0x8a: {  	s1 =	srdreg.scid  }
0x8b: {  	s0 =	sand.u32 $0x1, s1  }
0x8c: {  	s17 =	sshll.u32 s0, $0xA;
	s2 =	sadd.s32 s3, s2  }
0x8d: {  	s2 =	sadd.s32 s2, s17  }
0x8e: {  	[smem:$0x3FC2] =	sst s2  }
0x8f: {  	_ = 	snop  }
0x90: {  	s2 =	sld [smem:$0x3FC9]  }
0x91: {  	s18 =	sld [smem:$0x3FC8]  }
0x92: {  	s4 =	sld [smem:$0x3FC5]  }
0x93: {  	s5 =	sld [smem:$0x3FC4]  }
0x94: {  	s6 =	sld [smem:$0x3FD0];
	(tm) =	ssettm $0x1  }
0x95: {  	s7 =	sld [smem:$0x3FFB];
	_ =	sdelay $0x3  }
0x96: {  	_ =	strace s7  }
0x97: {  	s7 =	sld [smem:$0x3FFC];
	_ =	sdelay $0x3  }
0x98: {  	_ =	strace s7  }
0x99: {  	s7 =	sld [smem:$0x3FFD];
	_ =	sdelay $0x3  }
0x9a: {  	_ =	strace s7  }
0x9b: {  	_ =	strace $0x8FFFFFFF  }
0x9c: {  	s19 =	sld [smem:$0x3FDB];
	_ =	sdelay $0x1  }
0x9d: {  	s8 =	simm.s32 $_scs_section_size  }
0x9e: {  	s9 =	simm.s32 $_size__tile_overlayer_lowered;
	s10 =	simm.s32 $_tile_overlayer_lowered  }
0x9f: {  	s22 =	simm.s32 $0x1BFF;
	s21 =	sshll.u32 s10, $0x1;
	s7 =	sadd.s32 s8, s19  }
0xa0: {  	s11 =	simm.s32 $0x0;
	s20 =	sshll.u32 s9, $0x1;
	s9 =	sadd.s32 s21, s7  }
0xa1: {  	[timem:s11], [sflag:s22] =	dma.local [hbm:s9], s20  }
0xa2: {  	_ =	swait.ge [sflag:s22], s20  }
0xa3: {  	s8 =	ssub.s32 $0x0, s20;
	[sflag:s22] =	ssyncset.done $0x0  }
0xa4: {  	[sflag:s22] =	ssyncadd.s32 s8;
	_ =	sdelay $0x1  }
0xa5: {  	s23 =	simm.s32 $0x1B8B  }
0xa6: {  	_ =	swait.ge [sflag:s23], $0x1  }
0xa7: {  	[sflag:s23] =	ssyncset.done $0x0  }
0xa8: {  	s25 =	simm.s32 $0x1B8E;
	s24 =	sld [smem:$0x3FFE];
	[sflag:s23] =	ssyncadd.s32 $0xFFFFFFFF  }
0xa9: {  	s26 =	simm.s32 $execute0_lowered;
	[smem:$0x3FD2] =	sst s25  }
0xaa: {  	s9 =	sshll.u32 s26, $0x1;
	_ =	strace $0x80000046;
	[dreg:$0x1] =	wrdreg $0xFFFFFFFF  }
0xab: {  	s28 =	simm.s32 $_size_execute0_lowered;
	s7 =	sadd.s32 s7, s9;
	[dreg:$0x0] =	wrdreg $0x0  }
0xac: {  	s9 =	sshll.u32 s28, $0x1;
	[dreg:$0x2] =	wrdreg s7  }
0xad: {  	[dreg:$0x3] =	wrdreg s9  }
0xae: {  	[dreg:$0x4] =	wrdreg $0xC0  }
0xaf: {  	_ =	task [dreg:s11], $0x5FFFF  }
0xb0: {  	[dreg:$0x1] =	wrdreg $0xFFFFFFFF  }
0xb1: {  	[dreg:$0x0] =	wrdreg $0x60  }
0xb2: {  	[dreg:$0x2] =	wrdreg s2  }
0xb3: {  	[dreg:$0x3] =	wrdreg s18  }
0xb4: {  	[dreg:$0x4] =	wrdreg s24  }
0xb5: {  	[dreg:$0x5] =	wrdreg s4  }
0xb6: {  	[dreg:$0x6] =	wrdreg s5  }
0xb7: {  	[dreg:$0x7] =	wrdreg s6  }
0xb8: {  	[dreg:$0x8] =	wrdreg $0x9  }
0xb9: {  	_ =	task.clear_ibuf [dreg:s11], $0x9FFFF;
	_ =	strace $0x90000046  }
0xba: {  	s29 =	simm.s32 $0x9;
	_ =	strace $0x80000048  }
0xbb: {  	_ =	swait.ge [sflag:s29], $0x1  }
0xbc: {  	[sflag:s29] =	ssyncadd.s32 $0xFFFFFFFF  }
0xbd: {  	_ =	strace $0x90000048  }
0xbe: {  	_ =	sfence  }
0xbf: {  	s30 =	sld [smem:$0x0];
	_ =	sdelay $0x2  }
0xc0: {  	s31 =	sshll.u32 s1, $0xD;
	s1 =	sshrl.u32 s1, $0x2  }
0xc1: {  	s3 =	sand.u32 $0x4000, s31;
	s1 =	sadd.s32 s1, s30  }
0xc2: {  	s0 =	sor.u32 s3, s0;
	s1 =	sshll.u32 s1, $0x11  }
0xc3: {  	s0 =	sor.u32 s1, s0  }
0xc4: {  	s0 =	sadd.s32 $0x8F2B, s0  }
0xc5: {  	[sflag:s0] =	ssyncadd.remote.s32 $0x1  }
0xc6: {  	_ =	sfence.sel $0xFFFF  }
0xc7: {  	[dreg:$0x0] =	wrdreg $0xFFFFFFFF;
	(pc) =	sbr.abs _section_cstart, $3  }
0xc8: {  	[dreg:$0x1] =	wrdreg $0xFFFFFFFF  }
0xc9: {  	_ =	task.clear_ibuf [dreg:s11], $0x2FFFF;
	_ =	strace $0x9FFFFFFF  }
0xca: {  	(tm) =	ssettm $0x7FFFFFFF  }
0xcb: {  	_ =	shalt  }
tec
execute0_lowered:
.L_overlay_start_1:
0x0: {  	(tag) =	ssettag $0x1  }
0x1: {  	s0 =	rddreg [dreg:$0x0]  }
0x2: {  	s3 =	rddreg [dreg:$0x1]  }
0x3: {  	s6 =	rddreg [dreg:$0x2]  }
0x4: {  	s1 =	rddreg [dreg:$0x3]  }
0x5: {  	s2 =	rddreg [dreg:$0x4]  }
0x6: {  	s15 =	rddreg [dreg:$0x5]  }
0x7: {  	s4 =	simm.s32 $0x0;
	s5 =	srdreg.scid;
	s8 =	stileid.u32  }
0x8: {  	s18 =	simm.s32 $0x80;
	s19 =	simm.s32 $0x280;
	s20 =	simm.s32 $0x100  }
0x9: {  	s21 =	simm.s32 $0x300;
	s22 =	simm.s32 $0x180;
	s23 =	simm.s32 $0x380  }
0xa: {  	s24 =	simm.s32 $0x1;
	s25 =	simm.s32 $0x400;
	s26 =	simm.s32 $0x4400  }
0xb: {  	s28 =	simm.s32 $0x8800;
	s29 =	simm.s32 $0x0;
	[smem:$0x7FF] =	sst s4  }
0xc: {  	s5 =	sand.u32 $0x1, s5;
	s8 =	sshll.u32 s8, $0x7;
	_ =	strace $0x80000047  }
0xd: {  	s7 =	ssub.s32 $0x2, s5;
	s9 =	sshll.u32 s5, $0x6;
	s5 =	sadd.s32 $0xF42800, s6  }
0xe: {  	s6 =	sadd.s32 $0x1313200, s6;
	s10 =	sshrl.u32 s7, $0x1;
	s16 =	sor.u32 s9, s8  }
0xf: {  	s17 =	ssub.s32 s7, s10;
	s31 =	sor.u32 $0x10, s16;
	s7 =	sadd.s32 s0, s16  }
0x10: {  	s8 =	sadd.s32 s3, s16;
	s12 =	sor.u32 $0x20, s16;
	s14 =	sor.u32 $0x30, s16  }
0x11: {  	s15 =	sadd.s32 s15, s16;
	s9 =	sadd.s32 s0, s31;
	s10 =	sadd.s32 s3, s31  }
0x12: {  	v0 =	vlaneseq.u32;
	s11 =	sadd.s32 s0, s12;
	s12 =	sadd.s32 s3, s12;
	s13 =	sadd.s32 s0, s14  }
0x13: {  	v0 =	vmul.u32 $0x20, v0;
	s14 =	sadd.s32 s3, s14;
	s16 =	smax.u32 s17, $0x1;
	s17 =	simm.s32 $0x200  }
.LBB2_1:
0x14: {  	[tilespmem:s4], [sflag:$0x1] =	stream.linear.gather [hbm4b:s7+s4], $0x80, $0x38;
	[tilespmem:$0x8A00] =	vst v63  }
0x15: {  	_ = 	snop  }
0x16: {  	[tilespmem:s17], [sflag:$0x1] =	stream.linear.gather [hbm4b:s8+s4], $0x80, $0x38;
	[tilespmem:$0x8A00] =	vst v63  }
0x17: {  	_ = 	snop  }
0x18: {  	[tilespmem:s18], [sflag:$0x1] =	stream.linear.gather [hbm4b:s9+s4], $0x80, $0x38;
	[tilespmem:$0x8A00] =	vst v63  }
0x19: {  	_ = 	snop  }
0x1a: {  	[tilespmem:s19], [sflag:$0x1] =	stream.linear.gather [hbm4b:s10+s4], $0x80, $0x38;
	[tilespmem:$0x8A00] =	vst v63  }
0x1b: {  	_ = 	snop  }
0x1c: {  	[tilespmem:s20], [sflag:$0x1] =	stream.linear.gather [hbm4b:s11+s4], $0x80, $0x38;
	[tilespmem:$0x8A00] =	vst v63  }
0x1d: {  	_ = 	snop  }
0x1e: {  	[tilespmem:s21], [sflag:$0x1] =	stream.linear.gather [hbm4b:s12+s4], $0x80, $0x38;
	[tilespmem:$0x8A00] =	vst v63  }
0x1f: {  	_ = 	snop  }
0x20: {  	[tilespmem:s22], [sflag:$0x1] =	stream.linear.gather [hbm4b:s13+s4], $0x80, $0x38;
	[tilespmem:$0x8A00] =	vst v63  }
0x21: {  	_ = 	snop  }
0x22: {  	[tilespmem:s23], [sflag:$0x1] =	stream.linear.gather [hbm4b:s14+s4], $0x80, $0x38;
	[tilespmem:$0x8A00] =	vst v63  }
0x23: {  	_ =	swait.ge [sflag:s24], $0x80  }
0x24: {  	[sflag:s24] =	ssyncset.done $0x0  }
0x25: {  	[sflag:s24] =	ssyncadd.s32 $0xFFFFFF80  }
0x26: {  	_ =	swait.ge [sflag:s24], $0x80  }
0x27: {  	[sflag:s24] =	ssyncset.done $0x0  }
0x28: {  	[sflag:s24] =	ssyncadd.s32 $0xFFFFFF80  }
0x29: {  	_ =	swait.ge [sflag:s24], $0x80  }
0x2a: {  	[sflag:s24] =	ssyncset.done $0x0  }
0x2b: {  	[sflag:s24] =	ssyncadd.s32 $0xFFFFFF80  }
0x2c: {  	_ =	swait.ge [sflag:s24], $0x80  }
0x2d: {  	[sflag:s24] =	ssyncset.done $0x0  }
0x2e: {  	[sflag:s24] =	ssyncadd.s32 $0xFFFFFF80  }
0x2f: {  	_ =	swait.ge [sflag:s24], $0x80  }
0x30: {  	[sflag:s24] =	ssyncset.done $0x0  }
0x31: {  	[sflag:s24] =	ssyncadd.s32 $0xFFFFFF80  }
0x32: {  	_ =	swait.ge [sflag:s24], $0x80  }
0x33: {  	[sflag:s24] =	ssyncset.done $0x0  }
0x34: {  	[sflag:s24] =	ssyncadd.s32 $0xFFFFFF80  }
0x35: {  	_ =	swait.ge [sflag:s24], $0x80  }
0x36: {  	[sflag:s24] =	ssyncset.done $0x0  }
0x37: {  	[sflag:s24] =	ssyncadd.s32 $0xFFFFFF80  }
0x38: {  	_ =	swait.ge [sflag:s24], $0x80  }
0x39: {  	[sflag:s24] =	ssyncset.done $0x0  }
0x3a: {  	[sflag:s24] =	ssyncadd.s32 $0xFFFFFF80  }
0x3b: {  	[tilespmem:s25], [sflag:$0x1] =	stream.indirect.gather [hbm4b:s5+s18], $0x20, s4, s18, $0xb8;
	[tilespmem:$0x8A00] =	vst v63  }
0x3c: {  	_ = 	snop  }
0x3d: {  	[tilespmem:s26], [sflag:$0x1] =	stream.indirect.gather [hbm4b:s6+s18], $0x20, s17, s18, $0xb8;
	[tilespmem:$0x8A00] =	vst v63  }
0x3e: {  	s0 =	simm.s32 $0x8400  }
0x3f: {  	[tilespmem:s0], [sflag:$0x1] =	stream.indirect.gather [hbm4b:s1+s18], $0x1, s4, s18, $0xb8;
	[tilespmem:$0x8A00] =	vst v63  }
0x40: {  	s3 =	simm.s32 $0x8600  }
0x41: {  	[tilespmem:s3], [sflag:$0x1] =	stream.indirect.gather [hbm4b:s2+s18], $0x1, s17, s18, $0xb8;
	[tilespmem:$0x8A00] =	vst v63  }
0x42: {  	s30 =	simm.s32 $0x1400  }
0x43: {  	[tilespmem:s30], [sflag:$0x1] =	stream.indirect.gather [hbm4b:s5+s18], $0x20, s18, s18, $0xb8;
	[tilespmem:$0x8A00] =	vst v63  }
0x44: {  	s30 =	simm.s32 $0x5400  }
0x45: {  	[tilespmem:s30], [sflag:$0x1] =	stream.indirect.gather [hbm4b:s6+s18], $0x20, s19, s18, $0xb8;
	[tilespmem:$0x8A00] =	vst v63  }
0x46: {  	s30 =	simm.s32 $0x8480  }
0x47: {  	[tilespmem:s30], [sflag:$0x1] =	stream.indirect.gather [hbm4b:s1+s18], $0x1, s18, s18, $0xb8;
	[tilespmem:$0x8A00] =	vst v63  }
0x48: {  	s30 =	simm.s32 $0x8680  }
0x49: {  	[tilespmem:s30], [sflag:$0x1] =	stream.indirect.gather [hbm4b:s2+s18], $0x1, s19, s18, $0xb8;
	[tilespmem:$0x8A00] =	vst v63  }
0x4a: {  	s30 =	simm.s32 $0x2400  }
0x4b: {  	[tilespmem:s30], [sflag:$0x1] =	stream.indirect.gather [hbm4b:s5+s18], $0x20, s20, s18, $0xb8;
	[tilespmem:$0x8A00] =	vst v63  }
0x4c: {  	s30 =	simm.s32 $0x6400  }
0x4d: {  	[tilespmem:s30], [sflag:$0x1] =	stream.indirect.gather [hbm4b:s6+s18], $0x20, s21, s18, $0xb8;
	[tilespmem:$0x8A00] =	vst v63  }
0x4e: {  	s30 =	simm.s32 $0x8500  }
0x4f: {  	[tilespmem:s30], [sflag:$0x1] =	stream.indirect.gather [hbm4b:s1+s18], $0x1, s20, s18, $0xb8;
	[tilespmem:$0x8A00] =	vst v63  }
0x50: {  	s30 =	simm.s32 $0x8700  }
0x51: {  	[tilespmem:s30], [sflag:$0x1] =	stream.indirect.gather [hbm4b:s2+s18], $0x1, s21, s18, $0xb8;
	[tilespmem:$0x8A00] =	vst v63  }
0x52: {  	s30 =	simm.s32 $0x3400  }
0x53: {  	[tilespmem:s30], [sflag:$0x1] =	stream.indirect.gather [hbm4b:s5+s18], $0x20, s22, s18, $0xb8;
	[tilespmem:$0x8A00] =	vst v63  }
0x54: {  	s30 =	simm.s32 $0x7400  }
0x55: {  	[tilespmem:s30], [sflag:$0x1] =	stream.indirect.gather [hbm4b:s6+s18], $0x20, s23, s18, $0xb8;
	[tilespmem:$0x8A00] =	vst v63  }
0x56: {  	s30 =	simm.s32 $0x8580  }
0x57: {  	[tilespmem:s30], [sflag:$0x1] =	stream.indirect.gather [hbm4b:s1+s18], $0x1, s22, s18, $0xb8;
	[tilespmem:$0x8A00] =	vst v63  }
0x58: {  	s30 =	simm.s32 $0x8780  }
0x59: {  	[tilespmem:s30], [sflag:$0x1] =	stream.indirect.gather [hbm4b:s2+s18], $0x1, s23, s18, $0xb8;
	[tilespmem:$0x8A00] =	vst v63  }
0x5a: {  	_ =	swait.ge [sflag:s24], $0x1000  }
0x5b: {  	[sflag:s24] =	ssyncset.done $0x0  }
0x5c: {  	[sflag:s24] =	ssyncadd.s32 $0xFFFFF000  }
0x5d: {  	_ =	swait.ge [sflag:s24], $0x1000  }
0x5e: {  	[sflag:s24] =	ssyncset.done $0x0  }
0x5f: {  	[sflag:s24] =	ssyncadd.s32 $0xFFFFF000  }
0x60: {  	_ =	swait.ge [sflag:s24], $0x80  }
0x61: {  	[sflag:s24] =	ssyncset.done $0x0  }
0x62: {  	[sflag:s24] =	ssyncadd.s32 $0xFFFFFF80  }
0x63: {  	_ =	swait.ge [sflag:s24], $0x80  }
0x64: {  	[sflag:s24] =	ssyncset.done $0x0  }
0x65: {  	[sflag:s24] =	ssyncadd.s32 $0xFFFFFF80  }
0x66: {  	_ =	swait.ge [sflag:s24], $0x1000  }
0x67: {  	[sflag:s24] =	ssyncset.done $0x0  }
0x68: {  	[sflag:s24] =	ssyncadd.s32 $0xFFFFF000  }
0x69: {  	_ =	swait.ge [sflag:s24], $0x1000  }
0x6a: {  	[sflag:s24] =	ssyncset.done $0x0  }
0x6b: {  	[sflag:s24] =	ssyncadd.s32 $0xFFFFF000  }
0x6c: {  	_ =	swait.ge [sflag:s24], $0x80  }
0x6d: {  	[sflag:s24] =	ssyncset.done $0x0  }
0x6e: {  	[sflag:s24] =	ssyncadd.s32 $0xFFFFFF80  }
0x6f: {  	_ =	swait.ge [sflag:s24], $0x80  }
0x70: {  	[sflag:s24] =	ssyncset.done $0x0  }
0x71: {  	[sflag:s24] =	ssyncadd.s32 $0xFFFFFF80  }
0x72: {  	_ =	swait.ge [sflag:s24], $0x1000  }
0x73: {  	[sflag:s24] =	ssyncset.done $0x0  }
0x74: {  	[sflag:s24] =	ssyncadd.s32 $0xFFFFF000  }
0x75: {  	_ =	swait.ge [sflag:s24], $0x1000  }
0x76: {  	[sflag:s24] =	ssyncset.done $0x0  }
0x77: {  	[sflag:s24] =	ssyncadd.s32 $0xFFFFF000  }
0x78: {  	_ =	swait.ge [sflag:s24], $0x80  }
0x79: {  	[sflag:s24] =	ssyncset.done $0x0  }
0x7a: {  	[sflag:s24] =	ssyncadd.s32 $0xFFFFFF80  }
0x7b: {  	_ =	swait.ge [sflag:s24], $0x80  }
0x7c: {  	[sflag:s24] =	ssyncset.done $0x0  }
0x7d: {  	[sflag:s24] =	ssyncadd.s32 $0xFFFFFF80  }
0x7e: {  	_ =	swait.ge [sflag:s24], $0x1000  }
0x7f: {  	[sflag:s24] =	ssyncset.done $0x0  }
0x80: {  	[sflag:s24] =	ssyncadd.s32 $0xFFFFF000  }
0x81: {  	_ =	swait.ge [sflag:s24], $0x1000  }
0x82: {  	[sflag:s24] =	ssyncset.done $0x0  }
0x83: {  	[sflag:s24] =	ssyncadd.s32 $0xFFFFF000  }
0x84: {  	v1 =	vmov s4;
	_ =	swait.ge [sflag:s24], $0x80  }
0x85: {  	v1 =	vshll.u32 v1, $0x5;
	[sflag:s24] =	ssyncset.done $0x0  }
0x86: {  	v1 =	vor.u32 v0, v1;
	[sflag:s24] =	ssyncadd.s32 $0xFFFFFF80  }
0x87: {  	_ =	swait.ge [sflag:s24], $0x80  }
0x88: {  	[sflag:s24] =	ssyncset.done $0x0  }
0x89: {  	v2 =	vor.u32 $0x1, v1;
	[sflag:s24] =	ssyncadd.s32 $0xFFFFFF80  }
0x8a: {  	v3 =	vld [tilespmem:s3+$0x0]  }
0x8b: {  	v4 =	vor.u32 $0x2, v1;
	v5 =	vld.idx.msk [tilespmem:v1+s25+$0x0], $0xffff  }
0x8c: {  	v6 =	vld.idx.msk [tilespmem:v1+s26+$0x0], $0xffff  }
0x8d: {  	v7 =	vor.u32 $0x3, v1;
	v8 =	vld [tilespmem:s0+$0x0]  }
0x8e: {  	v9 =	vld.idx.msk [tilespmem:v2+s25+$0x0], $0xffff  }
0x8f: {  	v10 =	vor.u32 $0x4, v1;
	v2 =	vld.idx.msk [tilespmem:v2+s26+$0x0], $0xffff  }
0x90: {  	v11 =	vld.idx.msk [tilespmem:v4+s25+$0x0], $0xffff  }
0x91: {  	v12 =	vor.u32 $0x5, v1;
	v4 =	vld.idx.msk [tilespmem:v4+s26+$0x0], $0xffff  }
0x92: {  	v13 =	vld.idx.msk [tilespmem:v7+s25+$0x0], $0xffff;
	v3 =	vadd.f32 v3, v8;
	v5 =	vmul.f32 v6, v5  }
0x93: {  	v6 =	vld.idx.msk [tilespmem:v7+s26+$0x0], $0xffff;
	v7 =	vor.u32 $0x6, v1  }
0x94: {  	v20 =	vld.idx.msk [tilespmem:v10+s25+$0x0], $0xffff;
	v2 =	vmul.f32 v2, v9;
	v3 =	vadd.f32 v5, v3  }
0x95: {  	v21 =	vor.u32 $0x7, v1;
	v5 =	vld.idx.msk [tilespmem:v10+s26+$0x0], $0xffff  }
0x96: {  	v22 =	vld.idx.msk [tilespmem:v12+s25+$0x0], $0xffff;
	v2 =	vadd.f32 v2, v3;
	v3 =	vmul.f32 v4, v11  }
0x97: {  	v23 =	vor.u32 $0x8, v1;
	v4 =	vld.idx.msk [tilespmem:v12+s26+$0x0], $0xffff  }
0x98: {  	v24 =	vld.idx.msk [tilespmem:v7+s25+$0x0], $0xffff;
	v2 =	vadd.f32 v3, v2;
	v3 =	vmul.f32 v6, v13  }
0x99: {  	v6 =	vld.idx.msk [tilespmem:v7+s26+$0x0], $0xffff;
	v7 =	vor.u32 $0x9, v1  }
0x9a: {  	v25 =	vld.idx.msk [tilespmem:v21+s25+$0x0], $0xffff;
	v2 =	vadd.f32 v3, v2;
	v3 =	vmul.f32 v5, v20  }
0x9b: {  	v26 =	vor.u32 $0xA, v1;
	v5 =	vld.idx.msk [tilespmem:v21+s26+$0x0], $0xffff  }
0x9c: {  	v27 =	vld.idx.msk [tilespmem:v23+s25+$0x0], $0xffff;
	v2 =	vadd.f32 v3, v2;
	v3 =	vmul.f32 v4, v22  }
0x9d: {  	v28 =	vor.u32 $0xB, v1;
	v4 =	vld.idx.msk [tilespmem:v23+s26+$0x0], $0xffff  }
0x9e: {  	v29 =	vld.idx.msk [tilespmem:v7+s25+$0x0], $0xffff;
	v2 =	vadd.f32 v3, v2;
	v3 =	vmul.f32 v6, v24  }
0x9f: {  	v6 =	vld.idx.msk [tilespmem:v7+s26+$0x0], $0xffff;
	v7 =	vor.u32 $0xC, v1  }
0xa0: {  	v30 =	vld.idx.msk [tilespmem:v26+s25+$0x0], $0xffff;
	v2 =	vadd.f32 v3, v2;
	v3 =	vmul.f32 v5, v25  }
0xa1: {  	v31 =	vor.u32 $0xD, v1;
	v5 =	vld.idx.msk [tilespmem:v26+s26+$0x0], $0xffff  }
0xa2: {  	v32 =	vld.idx.msk [tilespmem:v28+s25+$0x0], $0xffff;
	v2 =	vadd.f32 v3, v2;
	v3 =	vmul.f32 v4, v27  }
0xa3: {  	v33 =	vor.u32 $0xE, v1;
	v4 =	vld.idx.msk [tilespmem:v28+s26+$0x0], $0xffff  }
0xa4: {  	v34 =	vld.idx.msk [tilespmem:v7+s25+$0x0], $0xffff;
	v2 =	vadd.f32 v3, v2;
	v3 =	vmul.f32 v6, v29  }
0xa5: {  	v6 =	vld.idx.msk [tilespmem:v7+s26+$0x0], $0xffff;
	v7 =	vor.u32 $0xF, v1  }
0xa6: {  	v35 =	vld.idx.msk [tilespmem:v31+s25+$0x0], $0xffff;
	v2 =	vadd.f32 v3, v2;
	v3 =	vmul.f32 v5, v30  }
0xa7: {  	v36 =	vor.u32 $0x10, v1;
	v5 =	vld.idx.msk [tilespmem:v31+s26+$0x0], $0xffff  }
0xa8: {  	v37 =	vld.idx.msk [tilespmem:v33+s25+$0x0], $0xffff;
	v2 =	vadd.f32 v3, v2;
	v3 =	vmul.f32 v4, v32  }
0xa9: {  	v38 =	vor.u32 $0x11, v1;
	v4 =	vld.idx.msk [tilespmem:v33+s26+$0x0], $0xffff  }
0xaa: {  	v39 =	vld.idx.msk [tilespmem:v7+s25+$0x0], $0xffff;
	v2 =	vadd.f32 v3, v2;
	v3 =	vmul.f32 v6, v34  }
0xab: {  	v6 =	vld.idx.msk [tilespmem:v7+s26+$0x0], $0xffff;
	v7 =	vor.u32 $0x12, v1  }
0xac: {  	v40 =	vld.idx.msk [tilespmem:v36+s25+$0x0], $0xffff;
	v2 =	vadd.f32 v3, v2;
	v3 =	vmul.f32 v5, v35  }
0xad: {  	v41 =	vor.u32 $0x13, v1;
	v5 =	vld.idx.msk [tilespmem:v36+s26+$0x0], $0xffff  }
0xae: {  	v42 =	vld.idx.msk [tilespmem:v38+s25+$0x0], $0xffff;
	v2 =	vadd.f32 v3, v2;
	v3 =	vmul.f32 v4, v37  }
0xaf: {  	v43 =	vor.u32 $0x14, v1;
	v4 =	vld.idx.msk [tilespmem:v38+s26+$0x0], $0xffff  }
0xb0: {  	v44 =	vld.idx.msk [tilespmem:v7+s25+$0x0], $0xffff;
	v2 =	vadd.f32 v3, v2;
	v3 =	vmul.f32 v6, v39  }
0xb1: {  	v6 =	vld.idx.msk [tilespmem:v7+s26+$0x0], $0xffff;
	v7 =	vor.u32 $0x15, v1  }
0xb2: {  	v45 =	vld.idx.msk [tilespmem:v41+s25+$0x0], $0xffff;
	v2 =	vadd.f32 v3, v2;
	v3 =	vmul.f32 v5, v40  }
0xb3: {  	v46 =	vor.u32 $0x16, v1;
	v5 =	vld.idx.msk [tilespmem:v41+s26+$0x0], $0xffff  }
0xb4: {  	v47 =	vld.idx.msk [tilespmem:v43+s25+$0x0], $0xffff;
	v2 =	vadd.f32 v3, v2;
	v3 =	vmul.f32 v4, v42  }
0xb5: {  	v48 =	vor.u32 $0x17, v1;
	v4 =	vld.idx.msk [tilespmem:v43+s26+$0x0], $0xffff  }
0xb6: {  	v49 =	vld.idx.msk [tilespmem:v7+s25+$0x0], $0xffff;
	v2 =	vadd.f32 v3, v2;
	v3 =	vmul.f32 v6, v44  }
0xb7: {  	v6 =	vld.idx.msk [tilespmem:v7+s26+$0x0], $0xffff;
	v7 =	vor.u32 $0x18, v1  }
0xb8: {  	v50 =	vld.idx.msk [tilespmem:v46+s25+$0x0], $0xffff;
	v2 =	vadd.f32 v3, v2;
	v3 =	vmul.f32 v5, v45  }
0xb9: {  	v51 =	vor.u32 $0x19, v1;
	v5 =	vld.idx.msk [tilespmem:v46+s26+$0x0], $0xffff  }
0xba: {  	v52 =	vld.idx.msk [tilespmem:v48+s25+$0x0], $0xffff;
	v2 =	vadd.f32 v3, v2;
	v3 =	vmul.f32 v4, v47  }
0xbb: {  	v53 =	vor.u32 $0x1A, v1;
	v4 =	vld.idx.msk [tilespmem:v48+s26+$0x0], $0xffff  }
0xbc: {  	v54 =	vld.idx.msk [tilespmem:v7+s25+$0x0], $0xffff;
	v2 =	vadd.f32 v3, v2;
	v3 =	vmul.f32 v6, v49  }
0xbd: {  	v6 =	vld.idx.msk [tilespmem:v7+s26+$0x0], $0xffff;
	v7 =	vor.u32 $0x1B, v1  }
0xbe: {  	v55 =	vld.idx.msk [tilespmem:v51+s25+$0x0], $0xffff;
	v2 =	vadd.f32 v3, v2;
	v3 =	vmul.f32 v5, v50  }
0xbf: {  	v56 =	vor.u32 $0x1C, v1;
	v5 =	vld.idx.msk [tilespmem:v51+s26+$0x0], $0xffff  }
0xc0: {  	v57 =	vld.idx.msk [tilespmem:v53+s25+$0x0], $0xffff;
	v2 =	vadd.f32 v3, v2;
	v3 =	vmul.f32 v4, v52  }
0xc1: {  	v58 =	vor.u32 $0x1D, v1;
	v4 =	vld.idx.msk [tilespmem:v53+s26+$0x0], $0xffff  }
0xc2: {  	v59 =	vld.idx.msk [tilespmem:v7+s25+$0x0], $0xffff;
	v2 =	vadd.f32 v3, v2;
	v3 =	vmul.f32 v6, v54  }
0xc3: {  	v6 =	vld.idx.msk [tilespmem:v7+s26+$0x0], $0xffff;
	v7 =	vor.u32 $0x1E, v1  }
0xc4: {  	v60 =	vld.idx.msk [tilespmem:v56+s25+$0x0], $0xffff;
	v2 =	vadd.f32 v3, v2;
	v3 =	vmul.f32 v5, v55  }
0xc5: {  	v1 =	vor.u32 $0x1F, v1;
	v5 =	vld.idx.msk [tilespmem:v56+s26+$0x0], $0xffff  }
0xc6: {  	v61 =	vld.idx.msk [tilespmem:v58+s25+$0x0], $0xffff;
	v2 =	vadd.f32 v3, v2;
	v3 =	vmul.f32 v4, v57  }
0xc7: {  	v4 =	vld.idx.msk [tilespmem:v58+s26+$0x0], $0xffff  }
0xc8: {  	v62 =	vld.idx.msk [tilespmem:v7+s25+$0x0], $0xffff;
	v2 =	vadd.f32 v3, v2;
	v3 =	vmul.f32 v6, v59  }
0xc9: {  	v6 =	vld.idx.msk [tilespmem:v7+s26+$0x0], $0xffff  }
0xca: {  	v7 =	vld.idx.msk [tilespmem:v1+s25+$0x0], $0xffff;
	v2 =	vadd.f32 v3, v2;
	v3 =	vmul.f32 v5, v60  }
0xcb: {  	v1 =	vld.idx.msk [tilespmem:v1+s26+$0x0], $0xffff  }
0xcc: {  	v2 =	vadd.f32 v3, v2;
	v3 =	vmul.f32 v4, v61;
	_ =	sdelay $0x1  }
0xcd: {  	s3 =	simm.s32 $0x10;
	v2 =	vadd.f32 v3, v2;
	v3 =	vmul.f32 v6, v62  }
0xce: {  	v4 =	vmov s3  }
0xcf: {  	v4 =	vshll.u32 v4, $0x5;
	v2 =	vadd.f32 v3, v2;
	v3 =	vmul.f32 v1, v7  }
0xd0: {  	v1 =	vor.u32 v0, v4  }
0xd1: {  	v2 =	vadd.f32 v3, v2;
	_ =	sdelay $0x1  }
0xd2: {  	s30 =	simm.s32 $0x8610;
	v3 =	vor.u32 $0x1, v1;
	[tilespmem:s28+$0x0] =	vst v2  }
0xd3: {  	v2 =	vld [tilespmem:s30+$0x0]  }
0xd4: {  	v4 =	vor.u32 $0x2, v1;
	v5 =	vld.idx.msk [tilespmem:v1+s25+$0x0], $0xffff  }
0xd5: {  	s31 =	simm.s32 $0x8410;
	v6 =	vld.idx.msk [tilespmem:v1+s26+$0x0], $0xffff  }
0xd6: {  	v7 =	vor.u32 $0x3, v1;
	v63 =	vld [tilespmem:s31+$0x0]  }
0xd7: {  	v16 =	vld.idx.msk [tilespmem:v3+s25+$0x0], $0xffff  }
0xd8: {  	v17 =	vor.u32 $0x4, v1;
	v3 =	vld.idx.msk [tilespmem:v3+s26+$0x0], $0xffff  }
0xd9: {  	v18 =	vld.idx.msk [tilespmem:v4+s25+$0x0], $0xffff  }
0xda: {  	v19 =	vor.u32 $0x5, v1;
	v4 =	vld.idx.msk [tilespmem:v4+s26+$0x0], $0xffff  }
0xdb: {  	v20 =	vld.idx.msk [tilespmem:v7+s25+$0x0], $0xffff;
	v2 =	vadd.f32 v2, v63;
	v5 =	vmul.f32 v6, v5  }
0xdc: {  	v6 =	vld.idx.msk [tilespmem:v7+s26+$0x0], $0xffff;
	v7 =	vor.u32 $0x6, v1  }
0xdd: {  	v21 =	vld.idx.msk [tilespmem:v17+s25+$0x0], $0xffff;
	v2 =	vadd.f32 v5, v2;
	v3 =	vmul.f32 v3, v16  }
0xde: {  	v22 =	vor.u32 $0x7, v1;
	v5 =	vld.idx.msk [tilespmem:v17+s26+$0x0], $0xffff  }
0xdf: {  	v23 =	vld.idx.msk [tilespmem:v19+s25+$0x0], $0xffff;
	v2 =	vadd.f32 v3, v2;
	v3 =	vmul.f32 v4, v18  }
0xe0: {  	v24 =	vor.u32 $0x8, v1;
	v4 =	vld.idx.msk [tilespmem:v19+s26+$0x0], $0xffff  }
0xe1: {  	v25 =	vld.idx.msk [tilespmem:v7+s25+$0x0], $0xffff;
	v2 =	vadd.f32 v3, v2;
	v3 =	vmul.f32 v6, v20  }
0xe2: {  	v6 =	vld.idx.msk [tilespmem:v7+s26+$0x0], $0xffff;
	v7 =	vor.u32 $0x9, v1  }
0xe3: {  	v26 =	vld.idx.msk [tilespmem:v22+s25+$0x0], $0xffff;
	v2 =	vadd.f32 v3, v2;
	v3 =	vmul.f32 v5, v21  }
0xe4: {  	v27 =	vor.u32 $0xA, v1;
	v5 =	vld.idx.msk [tilespmem:v22+s26+$0x0], $0xffff  }
0xe5: {  	v28 =	vld.idx.msk [tilespmem:v24+s25+$0x0], $0xffff;
	v2 =	vadd.f32 v3, v2;
	v3 =	vmul.f32 v4, v23  }
0xe6: {  	v29 =	vor.u32 $0xB, v1;
	v4 =	vld.idx.msk [tilespmem:v24+s26+$0x0], $0xffff  }
0xe7: {  	v30 =	vld.idx.msk [tilespmem:v7+s25+$0x0], $0xffff;
	v2 =	vadd.f32 v3, v2;
	v3 =	vmul.f32 v6, v25  }
0xe8: {  	v6 =	vld.idx.msk [tilespmem:v7+s26+$0x0], $0xffff;
	v7 =	vor.u32 $0xC, v1  }
0xe9: {  	v31 =	vld.idx.msk [tilespmem:v27+s25+$0x0], $0xffff;
	v2 =	vadd.f32 v3, v2;
	v3 =	vmul.f32 v5, v26  }
0xea: {  	v32 =	vor.u32 $0xD, v1;
	v5 =	vld.idx.msk [tilespmem:v27+s26+$0x0], $0xffff  }
0xeb: {  	v33 =	vld.idx.msk [tilespmem:v29+s25+$0x0], $0xffff;
	v2 =	vadd.f32 v3, v2;
	v3 =	vmul.f32 v4, v28  }
0xec: {  	v34 =	vor.u32 $0xE, v1;
	v4 =	vld.idx.msk [tilespmem:v29+s26+$0x0], $0xffff  }
0xed: {  	v35 =	vld.idx.msk [tilespmem:v7+s25+$0x0], $0xffff;
	v2 =	vadd.f32 v3, v2;
	v3 =	vmul.f32 v6, v30  }
0xee: {  	v6 =	vld.idx.msk [tilespmem:v7+s26+$0x0], $0xffff;
	v7 =	vor.u32 $0xF, v1  }
0xef: {  	v36 =	vld.idx.msk [tilespmem:v32+s25+$0x0], $0xffff;
	v2 =	vadd.f32 v3, v2;
	v3 =	vmul.f32 v5, v31  }
0xf0: {  	v37 =	vor.u32 $0x10, v1;
	v5 =	vld.idx.msk [tilespmem:v32+s26+$0x0], $0xffff  }
0xf1: {  	v38 =	vld.idx.msk [tilespmem:v34+s25+$0x0], $0xffff;
	v2 =	vadd.f32 v3, v2;
	v3 =	vmul.f32 v4, v33  }
0xf2: {  	v39 =	vor.u32 $0x11, v1;
	v4 =	vld.idx.msk [tilespmem:v34+s26+$0x0], $0xffff  }
0xf3: {  	v40 =	vld.idx.msk [tilespmem:v7+s25+$0x0], $0xffff;
	v2 =	vadd.f32 v3, v2;
	v3 =	vmul.f32 v6, v35  }
0xf4: {  	v6 =	vld.idx.msk [tilespmem:v7+s26+$0x0], $0xffff;
	v7 =	vor.u32 $0x12, v1  }
0xf5: {  	v41 =	vld.idx.msk [tilespmem:v37+s25+$0x0], $0xffff;
	v2 =	vadd.f32 v3, v2;
	v3 =	vmul.f32 v5, v36  }
0xf6: {  	v42 =	vor.u32 $0x13, v1;
	v5 =	vld.idx.msk [tilespmem:v37+s26+$0x0], $0xffff  }
0xf7: {  	v43 =	vld.idx.msk [tilespmem:v39+s25+$0x0], $0xffff;
	v2 =	vadd.f32 v3, v2;
	v3 =	vmul.f32 v4, v38  }
0xf8: {  	v44 =	vor.u32 $0x14, v1;
	v4 =	vld.idx.msk [tilespmem:v39+s26+$0x0], $0xffff  }
0xf9: {  	v45 =	vld.idx.msk [tilespmem:v7+s25+$0x0], $0xffff;
	v2 =	vadd.f32 v3, v2;
	v3 =	vmul.f32 v6, v40  }
0xfa: {  	v6 =	vld.idx.msk [tilespmem:v7+s26+$0x0], $0xffff;
	v7 =	vor.u32 $0x15, v1  }
0xfb: {  	v46 =	vld.idx.msk [tilespmem:v42+s25+$0x0], $0xffff;
	v2 =	vadd.f32 v3, v2;
	v3 =	vmul.f32 v5, v41  }
0xfc: {  	v47 =	vor.u32 $0x16, v1;
	v5 =	vld.idx.msk [tilespmem:v42+s26+$0x0], $0xffff  }
0xfd: {  	v48 =	vld.idx.msk [tilespmem:v44+s25+$0x0], $0xffff;
	v2 =	vadd.f32 v3, v2;
	v3 =	vmul.f32 v4, v43  }
0xfe: {  	v49 =	vor.u32 $0x17, v1;
	v4 =	vld.idx.msk [tilespmem:v44+s26+$0x0], $0xffff  }
0xff: {  	v50 =	vld.idx.msk [tilespmem:v7+s25+$0x0], $0xffff;
	v2 =	vadd.f32 v3, v2;
	v3 =	vmul.f32 v6, v45  }
0x100: {  	v6 =	vld.idx.msk [tilespmem:v7+s26+$0x0], $0xffff;
	v7 =	vor.u32 $0x18, v1  }
0x101: {  	v51 =	vld.idx.msk [tilespmem:v47+s25+$0x0], $0xffff;
	v2 =	vadd.f32 v3, v2;
	v3 =	vmul.f32 v5, v46  }
0x102: {  	v52 =	vor.u32 $0x19, v1;
	v5 =	vld.idx.msk [tilespmem:v47+s26+$0x0], $0xffff  }
0x103: {  	v53 =	vld.idx.msk [tilespmem:v49+s25+$0x0], $0xffff;
	v2 =	vadd.f32 v3, v2;
	v3 =	vmul.f32 v4, v48  }
0x104: {  	v54 =	vor.u32 $0x1A, v1;
	v4 =	vld.idx.msk [tilespmem:v49+s26+$0x0], $0xffff  }
0x105: {  	v55 =	vld.idx.msk [tilespmem:v7+s25+$0x0], $0xffff;
	v2 =	vadd.f32 v3, v2;
	v3 =	vmul.f32 v6, v50  }
0x106: {  	v6 =	vld.idx.msk [tilespmem:v7+s26+$0x0], $0xffff;
	v7 =	vor.u32 $0x1B, v1  }
0x107: {  	v56 =	vld.idx.msk [tilespmem:v52+s25+$0x0], $0xffff;
	v2 =	vadd.f32 v3, v2;
	v3 =	vmul.f32 v5, v51  }
0x108: {  	v57 =	vor.u32 $0x1C, v1;
	v5 =	vld.idx.msk [tilespmem:v52+s26+$0x0], $0xffff  }
0x109: {  	v58 =	vld.idx.msk [tilespmem:v54+s25+$0x0], $0xffff;
	v2 =	vadd.f32 v3, v2;
	v3 =	vmul.f32 v4, v53  }
0x10a: {  	v59 =	vor.u32 $0x1D, v1;
	v4 =	vld.idx.msk [tilespmem:v54+s26+$0x0], $0xffff  }
0x10b: {  	v60 =	vld.idx.msk [tilespmem:v7+s25+$0x0], $0xffff;
	v2 =	vadd.f32 v3, v2;
	v3 =	vmul.f32 v6, v55  }
0x10c: {  	v6 =	vld.idx.msk [tilespmem:v7+s26+$0x0], $0xffff;
	v7 =	vor.u32 $0x1E, v1  }
0x10d: {  	v61 =	vld.idx.msk [tilespmem:v57+s25+$0x0], $0xffff;
	v2 =	vadd.f32 v3, v2;
	v3 =	vmul.f32 v5, v56  }
0x10e: {  	v1 =	vor.u32 $0x1F, v1;
	v5 =	vld.idx.msk [tilespmem:v57+s26+$0x0], $0xffff  }
0x10f: {  	v62 =	vld.idx.msk [tilespmem:v59+s25+$0x0], $0xffff;
	v2 =	vadd.f32 v3, v2;
	v3 =	vmul.f32 v4, v58  }
0x110: {  	v4 =	vld.idx.msk [tilespmem:v59+s26+$0x0], $0xffff  }
0x111: {  	v63 =	vld.idx.msk [tilespmem:v7+s25+$0x0], $0xffff;
	v2 =	vadd.f32 v3, v2;
	v3 =	vmul.f32 v6, v60  }
0x112: {  	v6 =	vld.idx.msk [tilespmem:v7+s26+$0x0], $0xffff  }
0x113: {  	v7 =	vld.idx.msk [tilespmem:v1+s25+$0x0], $0xffff;
	v2 =	vadd.f32 v3, v2;
	v3 =	vmul.f32 v5, v61  }
0x114: {  	v5 =	vld.idx.msk [tilespmem:v1+s26+$0x0], $0xffff  }
0x115: {  	s3 =	simm.s32 $0x20;
	v1 =	vadd.f32 v3, v2;
	v2 =	vmul.f32 v4, v62  }
0x116: {  	v3 =	vmov s3  }
0x117: {  	v3 =	vshll.u32 v3, $0x5;
	v6 =	vmul.f32 v6, v63;
	v4 =	vadd.f32 v2, v1  }
0x118: {  	v1 =	vor.u32 v0, v3  }
0x119: {  	v2 =	vor.u32 $0x1, v1;
	v3 =	vadd.f32 v6, v4;
	v4 =	vmul.f32 v5, v7  }
0x11a: {  	s0 =	simm.s32 $0x8800;
	s3 =	simm.s32 $0x30  }
.LBB2_2:
0x11b: {  	p0 =	sne.s32 s3, $0x1F0;
	v3 =	vadd.f32 v4, v3  }
0x11c: {  	s0 =	sadd.s32 $0x10, s0  }
0x11d: {  	[tilespmem:s0+$0x0] =	vst v3  }
0x11e: {  	s30 =	sadd.s32 $0x10, s30;
	v3 =	vld.idx.msk [tilespmem:v2+s25+$0x0], $0xffff  }
0x11f: {  	v5 =	vor.u32 $0x2, v1;
	v4 =	vld [tilespmem:s30+$0x0]  }
0x120: {  	v6 =	vld.idx.msk [tilespmem:v1+s25+$0x0], $0xffff  }
0x121: {  	v8 =	vor.u32 $0x3, v1;
	s31 =	sadd.s32 $0x10, s31;
	v7 =	vld.idx.msk [tilespmem:v1+s26+$0x0], $0xffff  }
0x122: {  	v9 =	vld [tilespmem:s31+$0x0]  }
0x123: {  	v10 =	vor.u32 $0x4, v1;
	v2 =	vld.idx.msk [tilespmem:v2+s26+$0x0], $0xffff  }
0x124: {  	v11 =	vld.idx.msk [tilespmem:v5+s25+$0x0], $0xffff  }
0x125: {  	v12 =	vor.u32 $0x5, v1;
	v5 =	vld.idx.msk [tilespmem:v5+s26+$0x0], $0xffff  }
0x126: {  	v13 =	vld.idx.msk [tilespmem:v8+s25+$0x0], $0xffff  }
0x127: {  	v6 =	vmul.f32 v7, v6;
	v4 =	vadd.f32 v4, v9;
	v7 =	vld.idx.msk [tilespmem:v8+s26+$0x0], $0xffff;
	v8 =	vor.u32 $0x6, v1  }
0x128: {  	v9 =	vld.idx.msk [tilespmem:v10+s25+$0x0], $0xffff  }
0x129: {  	v2 =	vmul.f32 v2, v3;
	v4 =	vadd.f32 v6, v4;
	v3 =	vld.idx.msk [tilespmem:v10+s26+$0x0], $0xffff;
	v6 =	vor.u32 $0x7, v1  }
0x12a: {  	v10 =	vld.idx.msk [tilespmem:v12+s25+$0x0], $0xffff  }
0x12b: {  	v2 =	vadd.f32 v2, v4;
	v4 =	vmul.f32 v5, v11;
	v5 =	vld.idx.msk [tilespmem:v12+s26+$0x0], $0xffff;
	v11 =	vor.u32 $0x8, v1  }
0x12c: {  	v12 =	vld.idx.msk [tilespmem:v8+s25+$0x0], $0xffff  }
0x12d: {  	v2 =	vadd.f32 v4, v2;
	v4 =	vmul.f32 v7, v13;
	v7 =	vld.idx.msk [tilespmem:v8+s26+$0x0], $0xffff;
	v8 =	vor.u32 $0x9, v1  }
0x12e: {  	v13 =	vld.idx.msk [tilespmem:v6+s25+$0x0], $0xffff  }
0x12f: {  	v3 =	vmul.f32 v3, v9;
	v2 =	vadd.f32 v4, v2;
	v4 =	vld.idx.msk [tilespmem:v6+s26+$0x0], $0xffff;
	v6 =	vor.u32 $0xA, v1  }
0x130: {  	v9 =	vld.idx.msk [tilespmem:v11+s25+$0x0], $0xffff  }
0x131: {  	v2 =	vadd.f32 v3, v2;
	v3 =	vmul.f32 v5, v10;
	v5 =	vld.idx.msk [tilespmem:v11+s26+$0x0], $0xffff;
	v10 =	vor.u32 $0xB, v1  }
0x132: {  	v11 =	vld.idx.msk [tilespmem:v8+s25+$0x0], $0xffff  }
0x133: {  	v2 =	vadd.f32 v3, v2;
	v3 =	vmul.f32 v7, v12;
	v7 =	vld.idx.msk [tilespmem:v8+s26+$0x0], $0xffff;
	v8 =	vor.u32 $0xC, v1  }
0x134: {  	v12 =	vld.idx.msk [tilespmem:v6+s25+$0x0], $0xffff  }
0x135: {  	v2 =	vadd.f32 v3, v2;
	v3 =	vmul.f32 v4, v13;
	v4 =	vld.idx.msk [tilespmem:v6+s26+$0x0], $0xffff;
	v6 =	vor.u32 $0xD, v1  }
0x136: {  	v13 =	vld.idx.msk [tilespmem:v10+s25+$0x0], $0xffff  }
0x137: {  	v2 =	vadd.f32 v3, v2;
	v3 =	vmul.f32 v5, v9;
	v5 =	vld.idx.msk [tilespmem:v10+s26+$0x0], $0xffff;
	v9 =	vor.u32 $0xE, v1  }
0x138: {  	v10 =	vld.idx.msk [tilespmem:v8+s25+$0x0], $0xffff  }
0x139: {  	v2 =	vadd.f32 v3, v2;
	v3 =	vmul.f32 v7, v11;
	v7 =	vld.idx.msk [tilespmem:v8+s26+$0x0], $0xffff;
	v8 =	vor.u32 $0xF, v1  }
0x13a: {  	v11 =	vld.idx.msk [tilespmem:v6+s25+$0x0], $0xffff  }
0x13b: {  	v2 =	vadd.f32 v3, v2;
	v3 =	vmul.f32 v4, v12;
	v4 =	vld.idx.msk [tilespmem:v6+s26+$0x0], $0xffff;
	v6 =	vor.u32 $0x10, v1  }
0x13c: {  	v12 =	vld.idx.msk [tilespmem:v9+s25+$0x0], $0xffff  }
0x13d: {  	v2 =	vadd.f32 v3, v2;
	v3 =	vmul.f32 v5, v13;
	v5 =	vld.idx.msk [tilespmem:v9+s26+$0x0], $0xffff;
	v9 =	vor.u32 $0x11, v1  }
0x13e: {  	v13 =	vld.idx.msk [tilespmem:v8+s25+$0x0], $0xffff  }
0x13f: {  	v2 =	vadd.f32 v3, v2;
	v3 =	vmul.f32 v7, v10;
	v7 =	vld.idx.msk [tilespmem:v8+s26+$0x0], $0xffff;
	v8 =	vor.u32 $0x12, v1  }
0x140: {  	v10 =	vld.idx.msk [tilespmem:v6+s25+$0x0], $0xffff  }
0x141: {  	v2 =	vadd.f32 v3, v2;
	v3 =	vmul.f32 v4, v11;
	v4 =	vld.idx.msk [tilespmem:v6+s26+$0x0], $0xffff;
	v6 =	vor.u32 $0x13, v1  }
0x142: {  	v11 =	vld.idx.msk [tilespmem:v9+s25+$0x0], $0xffff  }
0x143: {  	v2 =	vadd.f32 v3, v2;
	v3 =	vmul.f32 v5, v12;
	v5 =	vld.idx.msk [tilespmem:v9+s26+$0x0], $0xffff;
	v9 =	vor.u32 $0x14, v1  }
0x144: {  	v12 =	vld.idx.msk [tilespmem:v8+s25+$0x0], $0xffff  }
0x145: {  	v2 =	vadd.f32 v3, v2;
	v3 =	vmul.f32 v7, v13;
	v7 =	vld.idx.msk [tilespmem:v8+s26+$0x0], $0xffff;
	v8 =	vor.u32 $0x15, v1  }
0x146: {  	v13 =	vld.idx.msk [tilespmem:v6+s25+$0x0], $0xffff  }
0x147: {  	v2 =	vadd.f32 v3, v2;
	v3 =	vmul.f32 v4, v10;
	v4 =	vld.idx.msk [tilespmem:v6+s26+$0x0], $0xffff;
	v6 =	vor.u32 $0x16, v1  }
0x148: {  	v10 =	vld.idx.msk [tilespmem:v9+s25+$0x0], $0xffff  }
0x149: {  	v2 =	vadd.f32 v3, v2;
	v3 =	vmul.f32 v5, v11;
	v5 =	vld.idx.msk [tilespmem:v9+s26+$0x0], $0xffff;
	v9 =	vor.u32 $0x17, v1  }
0x14a: {  	v11 =	vld.idx.msk [tilespmem:v8+s25+$0x0], $0xffff  }
0x14b: {  	v2 =	vadd.f32 v3, v2;
	v3 =	vmul.f32 v7, v12;
	v7 =	vld.idx.msk [tilespmem:v8+s26+$0x0], $0xffff;
	v8 =	vor.u32 $0x18, v1  }
0x14c: {  	v12 =	vld.idx.msk [tilespmem:v6+s25+$0x0], $0xffff  }
0x14d: {  	v2 =	vadd.f32 v3, v2;
	v3 =	vmul.f32 v4, v13;
	v4 =	vld.idx.msk [tilespmem:v6+s26+$0x0], $0xffff;
	v6 =	vor.u32 $0x19, v1  }
0x14e: {  	v13 =	vld.idx.msk [tilespmem:v9+s25+$0x0], $0xffff  }
0x14f: {  	v2 =	vadd.f32 v3, v2;
	v3 =	vmul.f32 v5, v10;
	v5 =	vld.idx.msk [tilespmem:v9+s26+$0x0], $0xffff;
	v9 =	vor.u32 $0x1A, v1  }
0x150: {  	v10 =	vld.idx.msk [tilespmem:v8+s25+$0x0], $0xffff  }
0x151: {  	v2 =	vadd.f32 v3, v2;
	v3 =	vmul.f32 v7, v11;
	v7 =	vld.idx.msk [tilespmem:v8+s26+$0x0], $0xffff;
	v8 =	vor.u32 $0x1B, v1  }
0x152: {  	v11 =	vld.idx.msk [tilespmem:v6+s25+$0x0], $0xffff  }
0x153: {  	v2 =	vadd.f32 v3, v2;
	v3 =	vmul.f32 v4, v12;
	v4 =	vld.idx.msk [tilespmem:v6+s26+$0x0], $0xffff;
	v6 =	vor.u32 $0x1C, v1  }
0x154: {  	v12 =	vld.idx.msk [tilespmem:v9+s25+$0x0], $0xffff  }
0x155: {  	v2 =	vadd.f32 v3, v2;
	v3 =	vmul.f32 v5, v13;
	v5 =	vld.idx.msk [tilespmem:v9+s26+$0x0], $0xffff;
	v9 =	vor.u32 $0x1D, v1  }
0x156: {  	v13 =	vld.idx.msk [tilespmem:v8+s25+$0x0], $0xffff  }
0x157: {  	v2 =	vadd.f32 v3, v2;
	v3 =	vmul.f32 v7, v10;
	v7 =	vld.idx.msk [tilespmem:v8+s26+$0x0], $0xffff;
	v8 =	vor.u32 $0x1E, v1  }
0x158: {  	v10 =	vld.idx.msk [tilespmem:v6+s25+$0x0], $0xffff  }
0x159: {  	v1 =	vor.u32 $0x1F, v1;
	v2 =	vadd.f32 v3, v2;
	v3 =	vmul.f32 v4, v11;
	v4 =	vld.idx.msk [tilespmem:v6+s26+$0x0], $0xffff  }
0x15a: {  	v6 =	vld.idx.msk [tilespmem:v9+s25+$0x0], $0xffff  }
0x15b: {  	v2 =	vadd.f32 v3, v2;
	v3 =	vmul.f32 v5, v12;
	v5 =	vld.idx.msk [tilespmem:v9+s26+$0x0], $0xffff  }
0x15c: {  	v9 =	vld.idx.msk [tilespmem:v8+s25+$0x0], $0xffff  }
0x15d: {  	v2 =	vadd.f32 v3, v2;
	v3 =	vmul.f32 v7, v13;
	v7 =	vld.idx.msk [tilespmem:v8+s26+$0x0], $0xffff  }
0x15e: {  	v8 =	vld.idx.msk [tilespmem:v1+s25+$0x0], $0xffff  }
0x15f: {  	v2 =	vadd.f32 v3, v2;
	v3 =	vmul.f32 v4, v10;
	v4 =	vld.idx.msk [tilespmem:v1+s26+$0x0], $0xffff;
	_ =	sdelay $0x1  }
0x160: {  	v1 =	vadd.f32 v3, v2;
	v2 =	vmul.f32 v5, v6  }
.Ltmp0:
0x161: {  	v3 =	vmov s3;
	(pc) =	sbr.rel @p0 .LBB2_2-.Ltmp0, $4  }
0x162: {  	v3 =	vshll.u32 v3, $0x5;
	v6 =	vmul.f32 v7, v9;
	v5 =	vadd.f32 v2, v1  }
0x163: {  	v1 =	vor.u32 v0, v3  }
0x164: {  	v2 =	vor.u32 $0x1, v1;
	v4 =	vmul.f32 v4, v8;
	v3 =	vadd.f32 v6, v5  }
0x165: {  	s3 =	sadd.s32 $0x10, s3  }
0x166: {  	v3 =	vadd.f32 v4, v3  }
0x167: {  	s0 =	sadd.s32 $0x10, s0  }
0x168: {  	s3 =	sadd.s32 $0x10, s30;
	[tilespmem:s0+$0x0] =	vst v3  }
0x169: {  	v3 =	vld [tilespmem:s3+$0x0]  }
0x16a: {  	v30 =	vor.u32 $0x2, v1;
	v5 =	vld.idx.msk [tilespmem:v1+s25+$0x0], $0xffff  }
0x16b: {  	s31 =	sadd.s32 $0x10, s31;
	v6 =	vld.idx.msk [tilespmem:v1+s26+$0x0], $0xffff  }
0x16c: {  	v7 =	vor.u32 $0x3, v1;
	v8 =	vld [tilespmem:s31+$0x0]  }
0x16d: {  	v9 =	vld.idx.msk [tilespmem:v2+s25+$0x0], $0xffff  }
0x16e: {  	v10 =	vor.u32 $0x4, v1;
	v2 =	vld.idx.msk [tilespmem:v2+s26+$0x0], $0xffff  }
0x16f: {  	v11 =	vld.idx.msk [tilespmem:v30+s25+$0x0], $0xffff  }
0x170: {  	v12 =	vor.u32 $0x5, v1;
	v4 =	vld.idx.msk [tilespmem:v30+s26+$0x0], $0xffff  }
0x171: {  	v13 =	vld.idx.msk [tilespmem:v7+s25+$0x0], $0xffff;
	v3 =	vadd.f32 v3, v8;
	v5 =	vmul.f32 v6, v5  }
0x172: {  	v32 =	vor.u32 $0x6, v1;
	v31 =	vld.idx.msk [tilespmem:v7+s26+$0x0], $0xffff  }
0x173: {  	v33 =	vld.idx.msk [tilespmem:v10+s25+$0x0], $0xffff;
	v2 =	vmul.f32 v2, v9;
	v3 =	vadd.f32 v5, v3  }
0x174: {  	v35 =	vor.u32 $0x7, v1;
	v34 =	vld.idx.msk [tilespmem:v10+s26+$0x0], $0xffff  }
0x175: {  	v36 =	vld.idx.msk [tilespmem:v12+s25+$0x0], $0xffff;
	v2 =	vadd.f32 v2, v3;
	v3 =	vmul.f32 v4, v11  }
0x176: {  	v38 =	vor.u32 $0x8, v1;
	v37 =	vld.idx.msk [tilespmem:v12+s26+$0x0], $0xffff  }
0x177: {  	v39 =	vld.idx.msk [tilespmem:v32+s25+$0x0], $0xffff;
	v2 =	vadd.f32 v3, v2;
	v3 =	vmul.f32 v31, v13  }
0x178: {  	v41 =	vor.u32 $0x9, v1;
	v40 =	vld.idx.msk [tilespmem:v32+s26+$0x0], $0xffff  }
0x179: {  	v42 =	vld.idx.msk [tilespmem:v35+s25+$0x0], $0xffff;
	v2 =	vadd.f32 v3, v2;
	v3 =	vmul.f32 v34, v33  }
0x17a: {  	v44 =	vor.u32 $0xA, v1;
	v43 =	vld.idx.msk [tilespmem:v35+s26+$0x0], $0xffff  }
0x17b: {  	v45 =	vld.idx.msk [tilespmem:v38+s25+$0x0], $0xffff;
	v2 =	vadd.f32 v3, v2;
	v3 =	vmul.f32 v37, v36  }
0x17c: {  	v47 =	vor.u32 $0xB, v1;
	v46 =	vld.idx.msk [tilespmem:v38+s26+$0x0], $0xffff  }
0x17d: {  	v48 =	vld.idx.msk [tilespmem:v41+s25+$0x0], $0xffff;
	v2 =	vadd.f32 v3, v2;
	v3 =	vmul.f32 v40, v39  }
0x17e: {  	v50 =	vor.u32 $0xC, v1;
	v49 =	vld.idx.msk [tilespmem:v41+s26+$0x0], $0xffff  }
0x17f: {  	v51 =	vld.idx.msk [tilespmem:v44+s25+$0x0], $0xffff;
	v2 =	vadd.f32 v3, v2;
	v3 =	vmul.f32 v43, v42  }
0x180: {  	v53 =	vor.u32 $0xD, v1;
	v52 =	vld.idx.msk [tilespmem:v44+s26+$0x0], $0xffff  }
0x181: {  	v54 =	vld.idx.msk [tilespmem:v47+s25+$0x0], $0xffff;
	v2 =	vadd.f32 v3, v2;
	v3 =	vmul.f32 v46, v45  }
0x182: {  	v56 =	vor.u32 $0xE, v1;
	v55 =	vld.idx.msk [tilespmem:v47+s26+$0x0], $0xffff  }
0x183: {  	v57 =	vld.idx.msk [tilespmem:v50+s25+$0x0], $0xffff;
	v2 =	vadd.f32 v3, v2;
	v3 =	vmul.f32 v49, v48  }
0x184: {  	v59 =	vor.u32 $0xF, v1;
	v58 =	vld.idx.msk [tilespmem:v50+s26+$0x0], $0xffff  }
0x185: {  	v60 =	vld.idx.msk [tilespmem:v53+s25+$0x0], $0xffff;
	v2 =	vadd.f32 v3, v2;
	v3 =	vmul.f32 v52, v51  }
0x186: {  	v62 =	vor.u32 $0x10, v1;
	v61 =	vld.idx.msk [tilespmem:v53+s26+$0x0], $0xffff  }
0x187: {  	v63 =	vld.idx.msk [tilespmem:v56+s25+$0x0], $0xffff;
	v2 =	vadd.f32 v3, v2;
	v3 =	vmul.f32 v55, v54  }
0x188: {  	v17 =	vor.u32 $0x11, v1;
	v16 =	vld.idx.msk [tilespmem:v56+s26+$0x0], $0xffff  }
0x189: {  	v18 =	vld.idx.msk [tilespmem:v59+s25+$0x0], $0xffff;
	v2 =	vadd.f32 v3, v2;
	v3 =	vmul.f32 v58, v57  }
0x18a: {  	v20 =	vor.u32 $0x12, v1;
	v19 =	vld.idx.msk [tilespmem:v59+s26+$0x0], $0xffff  }
0x18b: {  	v21 =	vld.idx.msk [tilespmem:v62+s25+$0x0], $0xffff;
	v2 =	vadd.f32 v3, v2;
	v3 =	vmul.f32 v61, v60  }
0x18c: {  	v23 =	vor.u32 $0x13, v1;
	v22 =	vld.idx.msk [tilespmem:v62+s26+$0x0], $0xffff  }
0x18d: {  	v24 =	vld.idx.msk [tilespmem:v17+s25+$0x0], $0xffff;
	v2 =	vadd.f32 v3, v2;
	v3 =	vmul.f32 v16, v63  }
0x18e: {  	v26 =	vor.u32 $0x14, v1;
	v25 =	vld.idx.msk [tilespmem:v17+s26+$0x0], $0xffff  }
0x18f: {  	v27 =	vld.idx.msk [tilespmem:v20+s25+$0x0], $0xffff;
	v2 =	vadd.f32 v3, v2;
	v3 =	vmul.f32 v19, v18  }
0x190: {  	v29 =	vor.u32 $0x15, v1;
	v28 =	vld.idx.msk [tilespmem:v20+s26+$0x0], $0xffff  }
0x191: {  	v30 =	vld.idx.msk [tilespmem:v23+s25+$0x0], $0xffff;
	v2 =	vadd.f32 v3, v2;
	v3 =	vmul.f32 v22, v21  }
0x192: {  	v32 =	vor.u32 $0x16, v1;
	v31 =	vld.idx.msk [tilespmem:v23+s26+$0x0], $0xffff  }
0x193: {  	v33 =	vld.idx.msk [tilespmem:v26+s25+$0x0], $0xffff;
	v2 =	vadd.f32 v3, v2;
	v3 =	vmul.f32 v25, v24  }
0x194: {  	v35 =	vor.u32 $0x17, v1;
	v34 =	vld.idx.msk [tilespmem:v26+s26+$0x0], $0xffff  }
0x195: {  	v36 =	vld.idx.msk [tilespmem:v29+s25+$0x0], $0xffff;
	v2 =	vadd.f32 v3, v2;
	v3 =	vmul.f32 v28, v27  }
0x196: {  	v38 =	vor.u32 $0x18, v1;
	v37 =	vld.idx.msk [tilespmem:v29+s26+$0x0], $0xffff  }
0x197: {  	v39 =	vld.idx.msk [tilespmem:v32+s25+$0x0], $0xffff;
	v2 =	vadd.f32 v3, v2;
	v3 =	vmul.f32 v31, v30  }
0x198: {  	v41 =	vor.u32 $0x19, v1;
	v40 =	vld.idx.msk [tilespmem:v32+s26+$0x0], $0xffff  }
0x199: {  	v42 =	vld.idx.msk [tilespmem:v35+s25+$0x0], $0xffff;
	v2 =	vadd.f32 v3, v2;
	v3 =	vmul.f32 v34, v33  }
0x19a: {  	v44 =	vor.u32 $0x1A, v1;
	v43 =	vld.idx.msk [tilespmem:v35+s26+$0x0], $0xffff  }
0x19b: {  	v45 =	vld.idx.msk [tilespmem:v38+s25+$0x0], $0xffff;
	v2 =	vadd.f32 v3, v2;
	v3 =	vmul.f32 v37, v36  }
0x19c: {  	v47 =	vor.u32 $0x1B, v1;
	v46 =	vld.idx.msk [tilespmem:v38+s26+$0x0], $0xffff  }
0x19d: {  	v48 =	vld.idx.msk [tilespmem:v41+s25+$0x0], $0xffff;
	v2 =	vadd.f32 v3, v2;
	v3 =	vmul.f32 v40, v39  }
0x19e: {  	v50 =	vor.u32 $0x1C, v1;
	v49 =	vld.idx.msk [tilespmem:v41+s26+$0x0], $0xffff  }
0x19f: {  	v51 =	vld.idx.msk [tilespmem:v44+s25+$0x0], $0xffff;
	v2 =	vadd.f32 v3, v2;
	v3 =	vmul.f32 v43, v42  }
0x1a0: {  	v53 =	vor.u32 $0x1D, v1;
	v52 =	vld.idx.msk [tilespmem:v44+s26+$0x0], $0xffff  }
0x1a1: {  	v54 =	vld.idx.msk [tilespmem:v47+s25+$0x0], $0xffff;
	v2 =	vadd.f32 v3, v2;
	v3 =	vmul.f32 v46, v45  }
0x1a2: {  	v56 =	vor.u32 $0x1E, v1;
	v55 =	vld.idx.msk [tilespmem:v47+s26+$0x0], $0xffff  }
0x1a3: {  	v57 =	vld.idx.msk [tilespmem:v50+s25+$0x0], $0xffff;
	v2 =	vadd.f32 v3, v2;
	v3 =	vmul.f32 v49, v48  }
0x1a4: {  	v1 =	vor.u32 $0x1F, v1;
	v58 =	vld.idx.msk [tilespmem:v50+s26+$0x0], $0xffff  }
0x1a5: {  	v59 =	vld.idx.msk [tilespmem:v53+s25+$0x0], $0xffff;
	v2 =	vadd.f32 v3, v2;
	v3 =	vmul.f32 v52, v51  }
0x1a6: {  	v60 =	vld.idx.msk [tilespmem:v53+s26+$0x0], $0xffff  }
0x1a7: {  	v62 =	vld.idx.msk [tilespmem:v56+s26+$0x0], $0xffff;
	v2 =	vadd.f32 v3, v2;
	v3 =	vmul.f32 v55, v54  }
0x1a8: {  	v61 =	vld.idx.msk [tilespmem:v56+s25+$0x0], $0xffff  }
0x1a9: {  	v63 =	vld.idx.msk [tilespmem:v1+s25+$0x0], $0xffff;
	v2 =	vadd.f32 v3, v2;
	v3 =	vmul.f32 v58, v57  }
0x1aa: {  	v1 =	vld.idx.msk [tilespmem:v1+s26+$0x0], $0xffff  }
0x1ab: {  	v2 =	vadd.f32 v3, v2;
	v3 =	vmul.f32 v60, v59;
	_ =	sdelay $0x1  }
0x1ac: {  	v2 =	vadd.f32 v3, v2;
	v3 =	vmul.f32 v62, v61;
	_ =	sdelay $0x1  }
0x1ad: {  	v1 =	vmul.f32 v1, v63;
	v2 =	vadd.f32 v3, v2;
	_ =	sdelay $0x1  }
0x1ae: {  	s29 =	sadd.s32 $0x1, s29;
	v1 =	vadd.f32 v1, v2  }
0x1af: {  	p0 =	sne.s32 s29, s16;
	s0 =	sadd.s32 $0x10, s0  }
.Ltmp1:
0x1b0: {  	[tilespmem:s0+$0x0] =	vst v1;
	(pc) =	sbr.rel @p0 .LBB2_1-.Ltmp1, $4  }
0x1b1: {  	[hbm4b:s15+s4] =	stream.linear.scatter [tilespmem:s28], [sflag:$0x1], $0x200, $0x38;
	[tilespmem:$0x8A00] =	vst v63  }
0x1b2: {  	_ =	swait.ge [sflag:s24], $0x200  }
0x1b3: {  	[sflag:s24] =	ssyncset.done $0x0  }
0x1b4: {  	[sflag:s24] =	ssyncadd.s32 $0xFFFFFE00  }
0x1b5: {  	_ =	sfence.sel $0x180000  }
0x1b6: {  	[bflag:$0x0] =	sbarrier.arrive $0xFFFF  }
0x1b7: {  	_ =	strace $0x90000047  }
0x1b8: {  	s0 =	stileid.u32;
	[bflag:$0x2] =	sbarrier.arrive $0xFFFF  }
0x1b9: {  	p0 =	sne.s32 s0, $0x0;
	s0 =	rddreg [dreg:$0x6]  }
0x1ba: {  	s0 =	sadd.s32 @!p0 $0x100000, s0  }
0x1bb: {  	[sflag:s0] =	ssyncadd.tile.s32 @!p0 $0x1;
	_ =	shalt  }
.Lfunc_end2:
_tile_overlayer_lowered:
.L_overlay_start_2:
0x1bc: {  	(tag) =	ssettag $0x2  }
0x1bd: {  	s0 =	rddreg [dreg:$0x0];
	s2 =	stileid.u32  }
0x1be: {  	s1 =	rddreg [dreg:$0x1];
	p0 =	sne.s32 s2, $0x0  }
0x1bf: {  	s3 =	rddreg [dreg:$0x2];
	[bflag:$0x3] =	sbarrier.arrive $0xFFFF;
	s2 =	simm.s32 @!p0 $0x1C02  }
0x1c0: {  	[timem:s3], [sflag:s2] =	dma.local @!p0 [hbm:s0], s1  }
0x1c1: {  	s0 =	simm.s32 @!p0 $0x2  }
0x1c2: {  	_ =	swait.ge @!p0 [sflag:s0], s1  }
0x1c3: {  	s1 =	ssub.s32 @!p0 $0x0, s1;
	[sflag:s0] =	ssyncset.done @!p0 $0x0  }
0x1c4: {  	[sflag:s0] =	ssyncadd.s32 @!p0 s1  }
0x1c5: {  	[bflag:$0x3] =	sbarrier.arrive $0xFFFF  }
0x1c6: {  	_ =	shalt  }

</sc_bundles>
